<compile_context>
chip_gen: v7x
topology: tpu7x:2x2x1
jax: 0.10.2.dev20260603
libtpu: 0.0.44.dev20260713+nightly
codegen_flags: <defaults>
</compile_context>

<pallas_src>
import functools

import jax
import jax.numpy as jnp
from jax import lax
from jax.experimental import pallas as pl
from jax.experimental.pallas import tpu as pltpu
from jax.experimental.pallas import tpu_sc as plsc

_NC = 2
_NS = 16
_NW = _NC * _NS
_L = 16


def _leaky(v):
    return jnp.maximum(v, 0.2 * v)


def kernel(x, edge_index, W, att_src, att_dst, bias):
    n, d = x.shape
    e = edge_index.shape[1]
    rows = -(-n // 128)
    npad = rows * 128
    ept = e // _NW
    evec = ept // _L
    vpt = 400
    nt = n // vpt
    nvec = vpt // _L

    f32 = jnp.float32
    i32 = jnp.int32

    def _tc_matvec(x_ref, w_ref, o_ref):
        o_ref[...] = jax.lax.dot_general(
            w_ref[...], x_ref[...], (((1,), (1,)), ((), ())),
            preferred_element_type=jnp.float32)

    xp = pl.pallas_call(
        _tc_matvec,
        out_shape=jax.ShapeDtypeStruct((1, n), f32),
    )(x, W.reshape(1, d))

    scal = jnp.concatenate(
        [
            jnp.broadcast_to(att_src.reshape(1, 1), (1, _L)),
            jnp.broadcast_to(att_dst.reshape(1, 1), (1, _L)),
            jnp.broadcast_to(bias.reshape(1, 1), (1, _L)),
        ],
        axis=0,
    ).astype(f32)
    zeros = jnp.zeros((rows, 128), f32)
    rowids = jnp.arange(rows, dtype=i32)

    mesh = plsc.VectorSubcoreMesh(
        core_axis_name="c", subcore_axis_name="s",
        num_cores=_NC, num_subcores=_NS)

    @functools.partial(
        pl.kernel,
        out_type=(
            jax.ShapeDtypeStruct((e,), f32),
            jax.ShapeDtypeStruct((n,), f32),
            jax.ShapeDtypeStruct((_NC, rows, 128), f32),
            jax.ShapeDtypeStruct((_NC, rows, 128), f32),
            jax.ShapeDtypeStruct((2 * (e + n),), i32),
        ),
        mesh=mesh,
        compiler_params=pltpu.CompilerParams(needs_layout_passes=False),
        scratch_types=[
            pltpu.VMEM((n,), f32),
            pltpu.VMEM((ept,), i32),
            pltpu.VMEM((ept,), i32),
            pltpu.VMEM((ept,), f32),
            pltpu.VMEM((vpt,), f32),
            pltpu.VMEM((vpt,), i32),
            pltpu.VMEM((rows, 128), f32),
            pltpu.VMEM((rows, 128), f32),
            pltpu.VMEM((3, _L), f32),
            pltpu.VMEM((rows,), i32),
            pltpu.VMEM_SHARED((rows, 128), f32),
            pltpu.VMEM_SHARED((rows, 128), f32),
            pltpu.SemaphoreType.DMA,
            pltpu.SemaphoreType.DMA,
        ],
    )
    def _pass1(xp_hbm, ei_hbm, scal_hbm, zero_hbm, rid_hbm,
               w_out, wself_out, pnum_out, pden_out, ei_out,
               xp_v, src_v, dst_v, w_v, wself_v, nid_v, num_v, den_v,
               scal_v, rid_v, sh_num, sh_den, sem_in, sem_out):
        c = lax.axis_index("c")
        s = lax.axis_index("s")
        wid = s * _NC + c
        ebase = wid * ept
        nbase = wid * vpt

        @pl.when(s == 0)
        def _zero_shared():
            pltpu.sync_copy(zero_hbm, sh_num)
            pltpu.sync_copy(zero_hbm, sh_den)

        stage = [
            pltpu.async_copy(xp_hbm.at[0], xp_v, sem_in),
            pltpu.async_copy(ei_hbm.at[pl.ds(ebase, ept)], src_v, sem_in),
            pltpu.async_copy(ei_hbm.at[pl.ds(e + ebase, ept)], dst_v, sem_in),
            pltpu.async_copy(scal_hbm, scal_v, sem_in),
        ]
        rid_cp = pltpu.async_copy(rid_hbm, rid_v, sem_in)

        zv = jnp.zeros((_L,), f32)

        @plsc.parallel_loop(0, rows, 1, unroll=8)
        def _zero_body(r):
            for cc in range(8):
                sl = pl.ds(cc * _L, _L)
                num_v[r, sl] = zv
                den_v[r, sl] = zv

        for cp in stage:
            cp.wait()

        a_s = scal_v[0]
        a_d = scal_v[1]

        out_cps = [pltpu.async_copy(src_v, ei_out.at[pl.ds(ebase, ept)], sem_out),
                   pltpu.async_copy(dst_v, ei_out.at[pl.ds((e + n) + ebase, ept)], sem_out)]

        @plsc.parallel_loop(0, evec, 1, unroll=8)
        def _edge_body(i):
            off = pl.multiple_of(i * _L, _L)
            s16 = src_v[pl.ds(off, _L)]
            d16 = dst_v[pl.ds(off, _L)]
            xps = plsc.load_gather(xp_v, [s16])
            xpd = plsc.load_gather(xp_v, [d16])
            w = jnp.exp(_leaky(a_s * xps + a_d * xpd))
            w_v[pl.ds(off, _L)] = w
            r16 = lax.shift_right_logical(d16, 7)
            c16 = lax.bitwise_and(d16, 127)
            plsc.addupdate_scatter(den_v, [r16, c16], w)
            plsc.addupdate_scatter(num_v, [r16, c16], xps * w)

        out_cps.append(
            pltpu.async_copy(w_v, w_out.at[pl.ds(ebase, ept)], sem_out))

        @pl.when(wid < nt)
        def _self_loops():
            @plsc.parallel_loop(0, nvec, 1, unroll=4)
            def _self_body(k):
                off = pl.multiple_of(k * _L, _L)
                xpn = xp_v[pl.ds(nbase + off, _L)]
                ws = jnp.exp(_leaky((a_s + a_d) * xpn))
                wself_v[pl.ds(off, _L)] = ws
                idx = nbase + off + lax.iota(i32, _L)
                nid_v[pl.ds(off, _L)] = idx
                r16 = lax.shift_right_logical(idx, 7)
                c16 = lax.bitwise_and(idx, 127)
                plsc.addupdate_scatter(num_v, [r16, c16], xpn * ws)
                plsc.addupdate_scatter(den_v, [r16, c16], ws)

            pltpu.async_copy(wself_v, wself_out.at[pl.ds(nbase, vpt)], sem_out).wait()
            pltpu.async_copy(nid_v, ei_out.at[pl.ds(e + nbase, vpt)], sem_out).wait()
            pltpu.async_copy(
                nid_v, ei_out.at[pl.ds((e + n) + e + nbase, vpt)], sem_out).wait()

        rid_cp.wait()
        plsc.subcore_barrier()
        pltpu.sync_copy(num_v, sh_num.at[rid_v], add=True)
        pltpu.sync_copy(den_v, sh_den.at[rid_v], add=True)
        plsc.subcore_barrier()

        @pl.when(s == 0)
        def _write_partials():
            pltpu.sync_copy(sh_num, pnum_out.at[c])
            pltpu.sync_copy(sh_den, pden_out.at[c])

        for cp in out_cps:
            cp.wait()

    w_e, w_self, pnum, pden, ei_flat_out = _pass1(
        xp, edge_index.reshape(2 * e), scal, zeros, rowids)
    ei_after = ei_flat_out.reshape(2, e + n)

    @functools.partial(
        pl.kernel,
        out_type=(
            jax.ShapeDtypeStruct((n,), f32),
            jax.ShapeDtypeStruct((e + n,), f32),
        ),
        mesh=mesh,
        compiler_params=pltpu.CompilerParams(needs_layout_passes=False),
        scratch_types=[
            pltpu.VMEM((rows, 128), f32),
            pltpu.VMEM((rows, 128), f32),
            pltpu.VMEM((npad,), f32),
            pltpu.VMEM((rows, 128), f32),
            pltpu.VMEM((rows, 128), f32),
            pltpu.VMEM((vpt,), f32),
            pltpu.VMEM((ept,), i32),
            pltpu.VMEM((ept,), f32),
            pltpu.VMEM((ept,), f32),
            pltpu.VMEM((vpt,), f32),
            pltpu.VMEM((vpt,), f32),
            pltpu.VMEM((3, _L), f32),
            pltpu.SemaphoreType.DMA,
            pltpu.SemaphoreType.DMA,
        ],
    )
    def _pass2(pnum_hbm, pden_hbm, wself_hbm, ei_hbm, w_hbm, scal_hbm,
               score_out, alpha_out,
               pd0_v, pd1_v, dt_v, pn0_v, pn1_v, wself_v, dst_v, w_v,
               alpha_v, sc_v, as_v, scal_v, sem_in, sem_out):
        c = lax.axis_index("c")
        s = lax.axis_index("s")
        wid = s * _NC + c
        ebase = wid * ept
        nbase = wid * vpt

        den_cps = [
            pltpu.async_copy(pden_hbm.at[0], pd0_v, sem_in),
            pltpu.async_copy(pden_hbm.at[1], pd1_v, sem_in),
            pltpu.async_copy(scal_hbm, scal_v, sem_in),
        ]
        edge_cps = [
            pltpu.async_copy(ei_hbm.at[pl.ds(e + ebase, ept)], dst_v, sem_in),
            pltpu.async_copy(w_hbm.at[pl.ds(ebase, ept)], w_v, sem_in),
        ]
        node_cps = [
            pltpu.async_copy(pnum_hbm.at[0], pn0_v, sem_in),
            pltpu.async_copy(pnum_hbm.at[1], pn1_v, sem_in),
        ]
        for cp in den_cps:
            cp.wait()

        bias_v = scal_v[2]

        @plsc.parallel_loop(0, npad // _L, 1, unroll=8)
        def _den_body(g):
            r = lax.shift_right_logical(g, 3)
            coff = pl.multiple_of(lax.bitwise_and(g, 7) * _L, _L)
            dt_v[pl.ds(pl.multiple_of(g * _L, _L), _L)] = 1.0 / (
                pd0_v[r, pl.ds(coff, _L)] + pd1_v[r, pl.ds(coff, _L)] + 1e-16)

        for cp in edge_cps:
            cp.wait()

        @plsc.parallel_loop(0, evec, 1, unroll=8)
        def _alpha_body(i):
            off = pl.multiple_of(i * _L, _L)
            d16 = dst_v[pl.ds(off, _L)]
            w16 = w_v[pl.ds(off, _L)]
            dt = plsc.load_gather(dt_v, [d16])
            alpha_v[pl.ds(off, _L)] = w16 * dt

        alpha_cp = pltpu.async_copy(
            alpha_v, alpha_out.at[pl.ds(ebase, ept)], sem_out)

        for cp in node_cps:
            cp.wait()

        @pl.when(wid < nt)
        def _node_work():
            cp = pltpu.async_copy(
                wself_hbm.at[pl.ds(nbase, vpt)], wself_v, sem_in)
            cp.wait()

            @plsc.parallel_loop(0, nvec, 1, unroll=4)
            def _node_body(k):
                off = pl.multiple_of(k * _L, _L)
                g = wid * nvec + k
                r = lax.shift_right_logical(g, 3)
                coff = pl.multiple_of(lax.bitwise_and(g, 7) * _L, _L)
                inv = dt_v[pl.ds(nbase + off, _L)]
                nts = pn0_v[r, pl.ds(coff, _L)] + pn1_v[r, pl.ds(coff, _L)]
                sc_v[pl.ds(off, _L)] = nts * inv + bias_v
                as_v[pl.ds(off, _L)] = wself_v[pl.ds(off, _L)] * inv

            pltpu.async_copy(sc_v, score_out.at[pl.ds(nbase, vpt)], sem_out).wait()
            pltpu.async_copy(as_v, alpha_out.at[pl.ds(e + nbase, vpt)], sem_out).wait()

        alpha_cp.wait()

    score, alpha = _pass2(
        pnum, pden, w_self, edge_index.reshape(2 * e), w_e, scal)

    return score.reshape(n, 1), ei_after, alpha.reshape(e + n, 1)

# --- scband reference (transcript-rebuilt; emitter-appended) ---
"""Pipeline reference for scband-jacobi-pool-8263517077811 (READ-ONLY COPY).

The authoritative reference and input builder live on the scoring server;
editing this copy changes nothing except your own understanding.
"""

import jax, jax.numpy as jnp
import numpy as np

N_NODES = 10000
N_EDGES = 320000
D_FEAT = 128


def setup_inputs(seed: int = 0) -> dict:
    key = jax.random.key(seed)
    k1, k2, k3, k4, k5 = jax.random.split(key, 5)
    x = jax.random.normal(k1, (N_NODES, D_FEAT), dtype=jnp.float32)
    edge_index = jax.random.randint(k2, (2, N_EDGES), 0, N_NODES, dtype=jnp.int32)
    # GATConv(in_channels=128, out_channels=1, heads=1) parameters
    W = jax.random.normal(k3, (D_FEAT, 1), dtype=jnp.float32) * 0.1
    att_src = jax.random.normal(k4, (1, 1), dtype=jnp.float32) * 0.1
    att_dst = jax.random.normal(k5, (1, 1), dtype=jnp.float32) * 0.1
    bias = jnp.zeros((1,), dtype=jnp.float32)
    return {"x": x, "edge_index": edge_index, "W": W, "att_src": att_src, "att_dst": att_dst, "bias": bias}


def reference(x, edge_index, W, att_src, att_dst, bias):
    # JacobiPool.forward (as given): runs GATConv attention layer with
    # return_attention_weights=True, yielding node scores and per-edge attention.
    n = x.shape[0]
    # GATConv adds self-loops by default
    loops = jnp.arange(n, dtype=edge_index.dtype)
    ei = jnp.concatenate([edge_index, jnp.stack([loops, loops], axis=0)], axis=1)
    src, dst = ei[0], ei[1]
    # linear projection (heads=1, out_channels=1)
    xp = x @ W  # [N, 1]
    a_s = jnp.sum(xp * att_src, axis=-1)  # [N]
    a_d = jnp.sum(xp * att_dst, axis=-1)  # [N]
    e = a_s[src] + a_d[dst]  # gather per edge
    e = jax.nn.leaky_relu(e, negative_slope=0.2)
    # softmax over incoming edges of each dst node
    e_max = jax.ops.segment_max(e, dst, num_segments=n)
    e_exp = jnp.exp(e - jax.lax.stop_gradient(e_max)[dst])
    denom = jax.ops.segment_sum(e_exp, dst, num_segments=n)
    alpha = e_exp / (denom[dst] + 1e-16)  # [E+N]
    # message passing: scatter-add weighted source features
    score = jax.ops.segment_sum(xp[src] * alpha[:, None], dst, num_segments=n) + bias  # [N, 1]
    edge_index_after = ei
    edge_attention = alpha[:, None]
    return score, edge_index_after, edge_attention

if __name__ == "__main__":
    import jax
    _d = setup_inputs()
    print(jax.jit(kernel)(*tuple(_d.values())))

</pallas_src>

<mosaic_0001>
#map = affine_map<(d0, d1) -> (0, 0, 0)>
#map1 = affine_map<(d0, d1) -> (0)>
#map2 = affine_map<(d0, d1) -> (0, 0)>
module attributes {stable_mosaic.version = 14 : i64} {
  func.func @_pass2(%arg0: i32, %arg1: i32, %arg2: memref<2x79x128xf32, #tpu.memory_space<hbm>>, %arg3: memref<2x79x128xf32, #tpu.memory_space<hbm>>, %arg4: memref<10000xf32, #tpu.memory_space<hbm>>, %arg5: memref<640000xi32, #tpu.memory_space<hbm>>, %arg6: memref<320000xf32, #tpu.memory_space<hbm>>, %arg7: memref<3x16xf32, #tpu.memory_space<hbm>>, %arg8: memref<10000xf32, #tpu.memory_space<hbm>>, %arg9: memref<330000xf32, #tpu.memory_space<hbm>>, %arg10: memref<79x128xf32, #tpu.memory_space<vmem>>, %arg11: memref<79x128xf32, #tpu.memory_space<vmem>>, %arg12: memref<10112xf32, #tpu.memory_space<vmem>>, %arg13: memref<79x128xf32, #tpu.memory_space<vmem>>, %arg14: memref<79x128xf32, #tpu.memory_space<vmem>>, %arg15: memref<400xf32, #tpu.memory_space<vmem>>, %arg16: memref<10000xi32, #tpu.memory_space<vmem>>, %arg17: memref<10000xf32, #tpu.memory_space<vmem>>, %arg18: memref<10000xf32, #tpu.memory_space<vmem>>, %arg19: memref<400xf32, #tpu.memory_space<vmem>>, %arg20: memref<400xf32, #tpu.memory_space<vmem>>, %arg21: memref<3x16xf32, #tpu.memory_space<vmem>>, %arg22: memref<!tpu.dma_semaphore, #tpu.memory_space<semaphore_mem>>, %arg23: memref<!tpu.dma_semaphore, #tpu.memory_space<semaphore_mem>>) attributes {dimension_semantics = [#tpu.dimension_semantics<core_parallel>, #tpu.dimension_semantics<subcore_parallel>], iteration_bounds = array<i64: 2, 16>, scalar_prefetch = 0 : i64, scratch_operands = 14 : i64, tpu.core_type = #tpu.core_type<sc_vector_subcore>, window_params = [{transform_indices = #map}, {transform_indices = #map}, {transform_indices = #map1}, {transform_indices = #map1}, {transform_indices = #map1}, {transform_indices = #map2}, {transform_indices = #map1}, {transform_indices = #map1}]} {
    %mul3A = arith.constant 2 : i32
    %mul3A_0 = arith.muli %arg1, %mul3A : i32
    %add3A = arith.addi %mul3A_0, %arg0 : i32
    %mul3A_1 = arith.constant 10000 : i32
    %mul3A_2 = arith.muli %add3A, %mul3A_1 : i32
    %mul3A_3 = arith.constant 400 : i32
    %mul3A_4 = arith.muli %add3A, %mul3A_3 : i32
    %dma_start3A = arith.constant 0 : i32
    %dma_start3A_5 = arith.constant 0 : i32
    %dma_start3A_6 = arith.constant 0 : i32
    %dma_start3A_7 = tpu.memref_slice %arg3[%dma_start3A, %dma_start3A_5, %dma_start3A_6] : memref<2x79x128xf32, #tpu.memory_space<hbm>> -> memref<1x79x128xf32, #tpu.memory_space<hbm>>
    %dma_start3A_8 = tpu.memref_squeeze %dma_start3A_7 : memref<1x79x128xf32, #tpu.memory_space<hbm>> -> memref<79x128xf32, #tpu.memory_space<hbm>>
    %dma_start3A_9 = arith.constant 0 : i32
    %dma_start3A_10 = arith.constant 0 : i32
    %dma_start3A_11 = tpu.memref_slice %arg3[%dma_start3A, %dma_start3A_9, %dma_start3A_10] : memref<2x79x128xf32, #tpu.memory_space<hbm>> -> memref<1x79x128xf32, #tpu.memory_space<hbm>>
    %dma_start3A_12 = tpu.memref_squeeze %dma_start3A_11 : memref<1x79x128xf32, #tpu.memory_space<hbm>> -> memref<79x128xf32, #tpu.memory_space<hbm>>
    tpu.enqueue_dma source(%dma_start3A_12 : memref<79x128xf32, #tpu.memory_space<hbm>>) target(%arg10 : memref<79x128xf32, #tpu.memory_space<vmem>>) target_semaphore(%arg22 : memref<!tpu.dma_semaphore, #tpu.memory_space<semaphore_mem>>)
    %dma_start3A_13 = arith.constant 1 : i32
    %dma_start3A_14 = arith.constant 0 : i32
    %dma_start3A_15 = arith.constant 0 : i32
    %dma_start3A_16 = tpu.memref_slice %arg3[%dma_start3A_13, %dma_start3A_14, %dma_start3A_15] : memref<2x79x128xf32, #tpu.memory_space<hbm>> -> memref<1x79x128xf32, #tpu.memory_space<hbm>>
    %dma_start3A_17 = tpu.memref_squeeze %dma_start3A_16 : memref<1x79x128xf32, #tpu.memory_space<hbm>> -> memref<79x128xf32, #tpu.memory_space<hbm>>
    %dma_start3A_18 = arith.constant 0 : i32
    %dma_start3A_19 = arith.constant 0 : i32
    %dma_start3A_20 = tpu.memref_slice %arg3[%dma_start3A_13, %dma_start3A_18, %dma_start3A_19] : memref<2x79x128xf32, #tpu.memory_space<hbm>> -> memref<1x79x128xf32, #tpu.memory_space<hbm>>
    %dma_start3A_21 = tpu.memref_squeeze %dma_start3A_20 : memref<1x79x128xf32, #tpu.memory_space<hbm>> -> memref<79x128xf32, #tpu.memory_space<hbm>>
    tpu.enqueue_dma source(%dma_start3A_21 : memref<79x128xf32, #tpu.memory_space<hbm>>) target(%arg11 : memref<79x128xf32, #tpu.memory_space<vmem>>) target_semaphore(%arg22 : memref<!tpu.dma_semaphore, #tpu.memory_space<semaphore_mem>>)
    tpu.enqueue_dma source(%arg7 : memref<3x16xf32, #tpu.memory_space<hbm>>) target(%arg21 : memref<3x16xf32, #tpu.memory_space<vmem>>) target_semaphore(%arg22 : memref<!tpu.dma_semaphore, #tpu.memory_space<semaphore_mem>>)
    %add3A_22 = arith.constant 320000 : i32
    %add3A_23 = arith.addi %add3A_22, %mul3A_2 : i32
    %dma_start3A_24 = tpu.memref_slice %arg5[%add3A_23] : memref<640000xi32, #tpu.memory_space<hbm>> -> memref<10000xi32, #tpu.memory_space<hbm>>
    %dma_start3A_25 = tpu.memref_slice %arg5[%add3A_23] : memref<640000xi32, #tpu.memory_space<hbm>> -> memref<10000xi32, #tpu.memory_space<hbm>>
    tpu.enqueue_dma source(%dma_start3A_25 : memref<10000xi32, #tpu.memory_space<hbm>>) target(%arg16 : memref<10000xi32, #tpu.memory_space<vmem>>) target_semaphore(%arg22 : memref<!tpu.dma_semaphore, #tpu.memory_space<semaphore_mem>>)
    %dma_start3A_26 = tpu.memref_slice %arg6[%mul3A_2] : memref<320000xf32, #tpu.memory_space<hbm>> -> memref<10000xf32, #tpu.memory_space<hbm>>
    %dma_start3A_27 = tpu.memref_slice %arg6[%mul3A_2] : memref<320000xf32, #tpu.memory_space<hbm>> -> memref<10000xf32, #tpu.memory_space<hbm>>
    tpu.enqueue_dma source(%dma_start3A_27 : memref<10000xf32, #tpu.memory_space<hbm>>) target(%arg17 : memref<10000xf32, #tpu.memory_space<vmem>>) target_semaphore(%arg22 : memref<!tpu.dma_semaphore, #tpu.memory_space<semaphore_mem>>)
    %dma_start3A_28 = arith.constant 0 : i32
    %dma_start3A_29 = arith.constant 0 : i32
    %dma_start3A_30 = arith.constant 0 : i32
    %dma_start3A_31 = tpu.memref_slice %arg2[%dma_start3A_28, %dma_start3A_29, %dma_start3A_30] : memref<2x79x128xf32, #tpu.memory_space<hbm>> -> memref<1x79x128xf32, #tpu.memory_space<hbm>>
    %dma_start3A_32 = tpu.memref_squeeze %dma_start3A_31 : memref<1x79x128xf32, #tpu.memory_space<hbm>> -> memref<79x128xf32, #tpu.memory_space<hbm>>
    %dma_start3A_33 = arith.constant 0 : i32
    %dma_start3A_34 = arith.constant 0 : i32
    %dma_start3A_35 = tpu.memref_slice %arg2[%dma_start3A_28, %dma_start3A_33, %dma_start3A_34] : memref<2x79x128xf32, #tpu.memory_space<hbm>> -> memref<1x79x128xf32, #tpu.memory_space<hbm>>
    %dma_start3A_36 = tpu.memref_squeeze %dma_start3A_35 : memref<1x79x128xf32, #tpu.memory_space<hbm>> -> memref<79x128xf32, #tpu.memory_space<hbm>>
    tpu.enqueue_dma source(%dma_start3A_36 : memref<79x128xf32, #tpu.memory_space<hbm>>) target(%arg13 : memref<79x128xf32, #tpu.memory_space<vmem>>) target_semaphore(%arg22 : memref<!tpu.dma_semaphore, #tpu.memory_space<semaphore_mem>>)
    %dma_start3A_37 = arith.constant 1 : i32
    %dma_start3A_38 = arith.constant 0 : i32
    %dma_start3A_39 = arith.constant 0 : i32
    %dma_start3A_40 = tpu.memref_slice %arg2[%dma_start3A_37, %dma_start3A_38, %dma_start3A_39] : memref<2x79x128xf32, #tpu.memory_space<hbm>> -> memref<1x79x128xf32, #tpu.memory_space<hbm>>
    %dma_start3A_41 = tpu.memref_squeeze %dma_start3A_40 : memref<1x79x128xf32, #tpu.memory_space<hbm>> -> memref<79x128xf32, #tpu.memory_space<hbm>>
    %dma_start3A_42 = arith.constant 0 : i32
    %dma_start3A_43 = arith.constant 0 : i32
    %dma_start3A_44 = tpu.memref_slice %arg2[%dma_start3A_37, %dma_start3A_42, %dma_start3A_43] : memref<2x79x128xf32, #tpu.memory_space<hbm>> -> memref<1x79x128xf32, #tpu.memory_space<hbm>>
    %dma_start3A_45 = tpu.memref_squeeze %dma_start3A_44 : memref<1x79x128xf32, #tpu.memory_space<hbm>> -> memref<79x128xf32, #tpu.memory_space<hbm>>
    tpu.enqueue_dma source(%dma_start3A_45 : memref<79x128xf32, #tpu.memory_space<hbm>>) target(%arg14 : memref<79x128xf32, #tpu.memory_space<vmem>>) target_semaphore(%arg22 : memref<!tpu.dma_semaphore, #tpu.memory_space<semaphore_mem>>)
    %dma_wait3A = arith.constant 0 : i32
    %dma_wait3A_46 = arith.constant 0 : i32
    %dma_wait3A_47 = arith.constant 0 : i32
    %dma_wait3A_48 = tpu.memref_slice %arg3[%dma_wait3A, %dma_wait3A_46, %dma_wait3A_47] : memref<2x79x128xf32, #tpu.memory_space<hbm>> -> memref<1x79x128xf32, #tpu.memory_space<hbm>>
    %dma_wait3A_49 = tpu.memref_squeeze %dma_wait3A_48 : memref<1x79x128xf32, #tpu.memory_space<hbm>> -> memref<79x128xf32, #tpu.memory_space<hbm>>
    %dma_wait3A_50 = arith.constant 0 : i32
    %dma_wait3A_51 = arith.constant 0 : i32
    %dma_wait3A_52 = tpu.memref_slice %arg3[%dma_wait3A, %dma_wait3A_50, %dma_wait3A_51] : memref<2x79x128xf32, #tpu.memory_space<hbm>> -> memref<1x79x128xf32, #tpu.memory_space<hbm>>
    %dma_wait3A_53 = tpu.memref_squeeze %dma_wait3A_52 : memref<1x79x128xf32, #tpu.memory_space<hbm>> -> memref<79x128xf32, #tpu.memory_space<hbm>>
    tpu.wait_dma2 semaphore(%arg22 : memref<!tpu.dma_semaphore, #tpu.memory_space<semaphore_mem>>) src(%dma_wait3A_53 : memref<79x128xf32, #tpu.memory_space<hbm>>) dst(%arg10 : memref<79x128xf32, #tpu.memory_space<vmem>>)
    %dma_wait3A_54 = arith.constant 1 : i32
    %dma_wait3A_55 = arith.constant 0 : i32
    %dma_wait3A_56 = arith.constant 0 : i32
    %dma_wait3A_57 = tpu.memref_slice %arg3[%dma_wait3A_54, %dma_wait3A_55, %dma_wait3A_56] : memref<2x79x128xf32, #tpu.memory_space<hbm>> -> memref<1x79x128xf32, #tpu.memory_space<hbm>>
    %dma_wait3A_58 = tpu.memref_squeeze %dma_wait3A_57 : memref<1x79x128xf32, #tpu.memory_space<hbm>> -> memref<79x128xf32, #tpu.memory_space<hbm>>
    %dma_wait3A_59 = arith.constant 0 : i32
    %dma_wait3A_60 = arith.constant 0 : i32
    %dma_wait3A_61 = tpu.memref_slice %arg3[%dma_wait3A_54, %dma_wait3A_59, %dma_wait3A_60] : memref<2x79x128xf32, #tpu.memory_space<hbm>> -> memref<1x79x128xf32, #tpu.memory_space<hbm>>
    %dma_wait3A_62 = tpu.memref_squeeze %dma_wait3A_61 : memref<1x79x128xf32, #tpu.memory_space<hbm>> -> memref<79x128xf32, #tpu.memory_space<hbm>>
    tpu.wait_dma2 semaphore(%arg22 : memref<!tpu.dma_semaphore, #tpu.memory_space<semaphore_mem>>) src(%dma_wait3A_62 : memref<79x128xf32, #tpu.memory_space<hbm>>) dst(%arg11 : memref<79x128xf32, #tpu.memory_space<vmem>>)
    tpu.wait_dma2 semaphore(%arg22 : memref<!tpu.dma_semaphore, #tpu.memory_space<semaphore_mem>>) src(%arg7 : memref<3x16xf32, #tpu.memory_space<hbm>>) dst(%arg21 : memref<3x16xf32, #tpu.memory_space<vmem>>)
    %get3A = arith.constant 2 : i32
    %get3A_63 = arith.index_cast %get3A : i32 to index
    %get3A_64 = arith.constant 0 : index
    %get3A_65 = tpu.vector_load %arg21[%get3A_63, %get3A_64] {strides = array<i32>} : memref<3x16xf32, #tpu.memory_space<vmem>>, vector<16xf32>,
    %parallel_loop3A = arith.constant 0 : i32
    %parallel_loop3A_66 = arith.constant 632 : i32
    %parallel_loop3A_67 = arith.constant 1 : i32
    scf.for %parallel_loop3A_99 = %parallel_loop3A to %parallel_loop3A_66 step %parallel_loop3A_67  : i32 {
      %parallel_loop3A_100 = arith.constant 3 : i32
      %parallel_loop3A_101 = arith.shrui %parallel_loop3A_99, %parallel_loop3A_100 : i32
      %parallel_loop3A_102 = arith.constant 7 : i32
      %parallel_loop3A_103 = arith.andi %parallel_loop3A_99, %parallel_loop3A_102 : i32
      %parallel_loop3A_104 = arith.constant 16 : i32
      %parallel_loop3A_105 = arith.muli %parallel_loop3A_103, %parallel_loop3A_104 : i32
      %parallel_loop3A_106 = tpu.assume_multiple %parallel_loop3A_105, 16 : i32
      %parallel_loop3A_107 = arith.index_cast %parallel_loop3A_101 : i32 to index
      %parallel_loop3A_108 = arith.index_cast %parallel_loop3A_106 : i32 to index
      %parallel_loop3A_109 = tpu.vector_load %arg10[%parallel_loop3A_107, %parallel_loop3A_108] {strides = array<i32>} : memref<79x128xf32, #tpu.memory_space<vmem>>, vector<16xf32>,
      %parallel_loop3A_110 = arith.index_cast %parallel_loop3A_101 : i32 to index
      %parallel_loop3A_111 = arith.index_cast %parallel_loop3A_106 : i32 to index
      %parallel_loop3A_112 = tpu.vector_load %arg11[%parallel_loop3A_110, %parallel_loop3A_111] {strides = array<i32>} : memref<79x128xf32, #tpu.memory_space<vmem>>, vector<16xf32>,
      %parallel_loop3A_113 = arith.addf %parallel_loop3A_109, %parallel_loop3A_112 : vector<16xf32>
      %parallel_loop3A_114 = arith.constant 1.000000e-16 : f32
      %parallel_loop3A_115 = vector.broadcast %parallel_loop3A_114 : f32 to vector<16xf32>
      %parallel_loop3A_116 = arith.addf %parallel_loop3A_113, %parallel_loop3A_115 : vector<16xf32>
      %parallel_loop3A_117 = arith.constant 1.000000e+00 : f32
      %parallel_loop3A_118 = vector.broadcast %parallel_loop3A_117 : f32 to vector<16xf32>
      %parallel_loop3A_119 = arith.divf %parallel_loop3A_118, %parallel_loop3A_116 : vector<16xf32>
      %parallel_loop3A_120 = arith.constant 16 : i32
      %parallel_loop3A_121 = arith.muli %parallel_loop3A_99, %parallel_loop3A_120 : i32
      %parallel_loop3A_122 = tpu.assume_multiple %parallel_loop3A_121, 16 : i32
      %parallel_loop3A_123 = arith.index_cast %parallel_loop3A_122 : i32 to index
      %parallel_loop3A_124 = tpu.vector_load %arg12[%parallel_loop3A_123] {strides = array<i32>} : memref<10112xf32, #tpu.memory_space<vmem>>, vector<16xf32>,
      tpu.vector_store %arg12[%parallel_loop3A_123], %parallel_loop3A_119 {strides = array<i32>} : memref<10112xf32, #tpu.memory_space<vmem>>, vector<16xf32>,
    } {sc.loop_unroll_factor = 8 : i64, sc.parallel_access}
    %dma_wait3A_68 = tpu.memref_slice %arg5[%add3A_23] : memref<640000xi32, #tpu.memory_space<hbm>> -> memref<10000xi32, #tpu.memory_space<hbm>>
    %dma_wait3A_69 = tpu.memref_slice %arg5[%add3A_23] : memref<640000xi32, #tpu.memory_space<hbm>> -> memref<10000xi32, #tpu.memory_space<hbm>>
    tpu.wait_dma2 semaphore(%arg22 : memref<!tpu.dma_semaphore, #tpu.memory_space<semaphore_mem>>) src(%dma_wait3A_69 : memref<10000xi32, #tpu.memory_space<hbm>>) dst(%arg16 : memref<10000xi32, #tpu.memory_space<vmem>>)
    %dma_wait3A_70 = tpu.memref_slice %arg6[%mul3A_2] : memref<320000xf32, #tpu.memory_space<hbm>> -> memref<10000xf32, #tpu.memory_space<hbm>>
    %dma_wait3A_71 = tpu.memref_slice %arg6[%mul3A_2] : memref<320000xf32, #tpu.memory_space<hbm>> -> memref<10000xf32, #tpu.memory_space<hbm>>
    tpu.wait_dma2 semaphore(%arg22 : memref<!tpu.dma_semaphore, #tpu.memory_space<semaphore_mem>>) src(%dma_wait3A_71 : memref<10000xf32, #tpu.memory_space<hbm>>) dst(%arg17 : memref<10000xf32, #tpu.memory_space<vmem>>)
    %parallel_loop3A_72 = arith.constant 0 : i32
    %parallel_loop3A_73 = arith.constant 625 : i32
    %parallel_loop3A_74 = arith.constant 1 : i32
    scf.for %parallel_loop3A_99 = %parallel_loop3A_72 to %parallel_loop3A_73 step %parallel_loop3A_74  : i32 {
      %parallel_loop3A_100 = arith.constant 16 : i32
      %parallel_loop3A_101 = arith.muli %parallel_loop3A_99, %parallel_loop3A_100 : i32
      %parallel_loop3A_102 = tpu.assume_multiple %parallel_loop3A_101, 16 : i32
      %parallel_loop3A_103 = arith.index_cast %parallel_loop3A_102 : i32 to index
      %parallel_loop3A_104 = tpu.vector_load %arg16[%parallel_loop3A_103] {strides = array<i32>} : memref<10000xi32, #tpu.memory_space<vmem>>, vector<16xi32>,
      %parallel_loop3A_105 = arith.index_cast %parallel_loop3A_102 : i32 to index
      %parallel_loop3A_106 = tpu.vector_load %arg17[%parallel_loop3A_105] {strides = array<i32>} : memref<10000xf32, #tpu.memory_space<vmem>>, vector<16xf32>,
      %parallel_loop3A_107 = tpu.vector_load_idx %arg12[%parallel_loop3A_104] : memref<10112xf32, #tpu.memory_space<vmem>>[vector<16xi32>], vector<16xf32>,
      %parallel_loop3A_108 = arith.mulf %parallel_loop3A_106, %parallel_loop3A_107 : vector<16xf32>
      %parallel_loop3A_109 = arith.index_cast %parallel_loop3A_102 : i32 to index
      %parallel_loop3A_110 = tpu.vector_load %arg18[%parallel_loop3A_109] {strides = array<i32>} : memref<10000xf32, #tpu.memory_space<vmem>>, vector<16xf32>,
      tpu.vector_store %arg18[%parallel_loop3A_109], %parallel_loop3A_108 {strides = array<i32>} : memref<10000xf32, #tpu.memory_space<vmem>>, vector<16xf32>,
    } {sc.loop_unroll_factor = 8 : i64, sc.parallel_access}
    %dma_start3A_75 = tpu.memref_slice %arg9[%mul3A_2] : memref<330000xf32, #tpu.memory_space<hbm>> -> memref<10000xf32, #tpu.memory_space<hbm>>
    %dma_start3A_76 = tpu.memref_slice %arg9[%mul3A_2] : memref<330000xf32, #tpu.memory_space<hbm>> -> memref<10000xf32, #tpu.memory_space<hbm>>
    tpu.enqueue_dma source(%arg18 : memref<10000xf32, #tpu.memory_space<vmem>>) target(%dma_start3A_76 : memref<10000xf32, #tpu.memory_space<hbm>>) target_semaphore(%arg23 : memref<!tpu.dma_semaphore, #tpu.memory_space<semaphore_mem>>)
    %dma_wait3A_77 = arith.constant 0 : i32
    %dma_wait3A_78 = arith.constant 0 : i32
    %dma_wait3A_79 = arith.constant 0 : i32
    %dma_wait3A_80 = tpu.memref_slice %arg2[%dma_wait3A_77, %dma_wait3A_78, %dma_wait3A_79] : memref<2x79x128xf32, #tpu.memory_space<hbm>> -> memref<1x79x128xf32, #tpu.memory_space<hbm>>
    %dma_wait3A_81 = tpu.memref_squeeze %dma_wait3A_80 : memref<1x79x128xf32, #tpu.memory_space<hbm>> -> memref<79x128xf32, #tpu.memory_space<hbm>>
    %dma_wait3A_82 = arith.constant 0 : i32
    %dma_wait3A_83 = arith.constant 0 : i32
    %dma_wait3A_84 = tpu.memref_slice %arg2[%dma_wait3A_77, %dma_wait3A_82, %dma_wait3A_83] : memref<2x79x128xf32, #tpu.memory_space<hbm>> -> memref<1x79x128xf32, #tpu.memory_space<hbm>>
    %dma_wait3A_85 = tpu.memref_squeeze %dma_wait3A_84 : memref<1x79x128xf32, #tpu.memory_space<hbm>> -> memref<79x128xf32, #tpu.memory_space<hbm>>
    tpu.wait_dma2 semaphore(%arg22 : memref<!tpu.dma_semaphore, #tpu.memory_space<semaphore_mem>>) src(%dma_wait3A_85 : memref<79x128xf32, #tpu.memory_space<hbm>>) dst(%arg13 : memref<79x128xf32, #tpu.memory_space<vmem>>)
    %dma_wait3A_86 = arith.constant 1 : i32
    %dma_wait3A_87 = arith.constant 0 : i32
    %dma_wait3A_88 = arith.constant 0 : i32
    %dma_wait3A_89 = tpu.memref_slice %arg2[%dma_wait3A_86, %dma_wait3A_87, %dma_wait3A_88] : memref<2x79x128xf32, #tpu.memory_space<hbm>> -> memref<1x79x128xf32, #tpu.memory_space<hbm>>
    %dma_wait3A_90 = tpu.memref_squeeze %dma_wait3A_89 : memref<1x79x128xf32, #tpu.memory_space<hbm>> -> memref<79x128xf32, #tpu.memory_space<hbm>>
    %dma_wait3A_91 = arith.constant 0 : i32
    %dma_wait3A_92 = arith.constant 0 : i32
    %dma_wait3A_93 = tpu.memref_slice %arg2[%dma_wait3A_86, %dma_wait3A_91, %dma_wait3A_92] : memref<2x79x128xf32, #tpu.memory_space<hbm>> -> memref<1x79x128xf32, #tpu.memory_space<hbm>>
    %dma_wait3A_94 = tpu.memref_squeeze %dma_wait3A_93 : memref<1x79x128xf32, #tpu.memory_space<hbm>> -> memref<79x128xf32, #tpu.memory_space<hbm>>
    tpu.wait_dma2 semaphore(%arg22 : memref<!tpu.dma_semaphore, #tpu.memory_space<semaphore_mem>>) src(%dma_wait3A_94 : memref<79x128xf32, #tpu.memory_space<hbm>>) dst(%arg14 : memref<79x128xf32, #tpu.memory_space<vmem>>)
    %lt3A = arith.constant 25 : i32
    %lt3A_95 = arith.cmpi slt, %add3A, %lt3A : i32
    %convert_element_type3A = arith.extui %lt3A_95 : i1 to i32
    %cond3A = arith.constant 0 : i32
    %cond3A_96 = arith.cmpi ne, %convert_element_type3A, %cond3A : i32
    scf.if %cond3A_96 {
      %dma_start3A_99 = tpu.memref_slice %arg4[%mul3A_4] : memref<10000xf32, #tpu.memory_space<hbm>> -> memref<400xf32, #tpu.memory_space<hbm>>
      %dma_start3A_100 = tpu.memref_slice %arg4[%mul3A_4] : memref<10000xf32, #tpu.memory_space<hbm>> -> memref<400xf32, #tpu.memory_space<hbm>>
      tpu.enqueue_dma source(%dma_start3A_100 : memref<400xf32, #tpu.memory_space<hbm>>) target(%arg15 : memref<400xf32, #tpu.memory_space<vmem>>) target_semaphore(%arg22 : memref<!tpu.dma_semaphore, #tpu.memory_space<semaphore_mem>>)
      %dma_wait3A_101 = tpu.memref_slice %arg4[%mul3A_4] : memref<10000xf32, #tpu.memory_space<hbm>> -> memref<400xf32, #tpu.memory_space<hbm>>
      %dma_wait3A_102 = tpu.memref_slice %arg4[%mul3A_4] : memref<10000xf32, #tpu.memory_space<hbm>> -> memref<400xf32, #tpu.memory_space<hbm>>
      tpu.wait_dma2 semaphore(%arg22 : memref<!tpu.dma_semaphore, #tpu.memory_space<semaphore_mem>>) src(%dma_wait3A_102 : memref<400xf32, #tpu.memory_space<hbm>>) dst(%arg15 : memref<400xf32, #tpu.memory_space<vmem>>)
      %parallel_loop3A_103 = arith.constant 0 : i32
      %parallel_loop3A_104 = arith.constant 25 : i32
      %parallel_loop3A_105 = arith.constant 1 : i32
      scf.for %parallel_loop3A_116 = %parallel_loop3A_103 to %parallel_loop3A_104 step %parallel_loop3A_105  : i32 {
        %parallel_loop3A_117 = arith.constant 16 : i32
        %parallel_loop3A_118 = arith.muli %parallel_loop3A_116, %parallel_loop3A_117 : i32
        %parallel_loop3A_119 = tpu.assume_multiple %parallel_loop3A_118, 16 : i32
        %parallel_loop3A_120 = arith.constant 25 : i32
        %parallel_loop3A_121 = arith.muli %add3A, %parallel_loop3A_120 : i32
        %parallel_loop3A_122 = arith.addi %parallel_loop3A_121, %parallel_loop3A_116 : i32
        %parallel_loop3A_123 = arith.constant 3 : i32
        %parallel_loop3A_124 = arith.shrui %parallel_loop3A_122, %parallel_loop3A_123 : i32
        %parallel_loop3A_125 = arith.constant 7 : i32
        %parallel_loop3A_126 = arith.andi %parallel_loop3A_122, %parallel_loop3A_125 : i32
        %parallel_loop3A_127 = arith.constant 16 : i32
        %parallel_loop3A_128 = arith.muli %parallel_loop3A_126, %parallel_loop3A_127 : i32
        %parallel_loop3A_129 = tpu.assume_multiple %parallel_loop3A_128, 16 : i32
        %parallel_loop3A_130 = arith.addi %mul3A_4, %parallel_loop3A_119 : i32
        %parallel_loop3A_131 = arith.index_cast %parallel_loop3A_130 : i32 to index
        %parallel_loop3A_132 = tpu.vector_load %arg12[%parallel_loop3A_131] {strides = array<i32>} : memref<10112xf32, #tpu.memory_space<vmem>>, vector<16xf32>,
        %parallel_loop3A_133 = arith.index_cast %parallel_loop3A_124 : i32 to index
        %parallel_loop3A_134 = arith.index_cast %parallel_loop3A_129 : i32 to index
        %parallel_loop3A_135 = tpu.vector_load %arg13[%parallel_loop3A_133, %parallel_loop3A_134] {strides = array<i32>} : memref<79x128xf32, #tpu.memory_space<vmem>>, vector<16xf32>,
        %parallel_loop3A_136 = arith.index_cast %parallel_loop3A_124 : i32 to index
        %parallel_loop3A_137 = arith.index_cast %parallel_loop3A_129 : i32 to index
        %parallel_loop3A_138 = tpu.vector_load %arg14[%parallel_loop3A_136, %parallel_loop3A_137] {strides = array<i32>} : memref<79x128xf32, #tpu.memory_space<vmem>>, vector<16xf32>,
        %parallel_loop3A_139 = arith.addf %parallel_loop3A_135, %parallel_loop3A_138 : vector<16xf32>
        %parallel_loop3A_140 = arith.mulf %parallel_loop3A_139, %parallel_loop3A_132 : vector<16xf32>
        %parallel_loop3A_141 = arith.addf %parallel_loop3A_140, %get3A_65 : vector<16xf32>
        %parallel_loop3A_142 = arith.index_cast %parallel_loop3A_119 : i32 to index
        %parallel_loop3A_143 = tpu.vector_load %arg19[%parallel_loop3A_142] {strides = array<i32>} : memref<400xf32, #tpu.memory_space<vmem>>, vector<16xf32>,
        tpu.vector_store %arg19[%parallel_loop3A_142], %parallel_loop3A_141 {strides = array<i32>} : memref<400xf32, #tpu.memory_space<vmem>>, vector<16xf32>,
        %parallel_loop3A_144 = arith.index_cast %parallel_loop3A_119 : i32 to index
        %parallel_loop3A_145 = tpu.vector_load %arg15[%parallel_loop3A_144] {strides = array<i32>} : memref<400xf32, #tpu.memory_space<vmem>>, vector<16xf32>,
        %parallel_loop3A_146 = arith.mulf %parallel_loop3A_145, %parallel_loop3A_132 : vector<16xf32>
        %parallel_loop3A_147 = arith.index_cast %parallel_loop3A_119 : i32 to index
        %parallel_loop3A_148 = tpu.vector_load %arg20[%parallel_loop3A_147] {strides = array<i32>} : memref<400xf32, #tpu.memory_space<vmem>>, vector<16xf32>,
        tpu.vector_store %arg20[%parallel_loop3A_147], %parallel_loop3A_146 {strides = array<i32>} : memref<400xf32, #tpu.memory_space<vmem>>, vector<16xf32>,
      } {sc.loop_unroll_factor = 4 : i64, sc.parallel_access}
      %dma_start3A_106 = tpu.memref_slice %arg8[%mul3A_4] : memref<10000xf32, #tpu.memory_space<hbm>> -> memref<400xf32, #tpu.memory_space<hbm>>
      %dma_start3A_107 = tpu.memref_slice %arg8[%mul3A_4] : memref<10000xf32, #tpu.memory_space<hbm>> -> memref<400xf32, #tpu.memory_space<hbm>>
      tpu.enqueue_dma source(%arg19 : memref<400xf32, #tpu.memory_space<vmem>>) target(%dma_start3A_107 : memref<400xf32, #tpu.memory_space<hbm>>) target_semaphore(%arg23 : memref<!tpu.dma_semaphore, #tpu.memory_space<semaphore_mem>>)
      %dma_wait3A_108 = tpu.memref_slice %arg8[%mul3A_4] : memref<10000xf32, #tpu.memory_space<hbm>> -> memref<400xf32, #tpu.memory_space<hbm>>
      %dma_wait3A_109 = tpu.memref_slice %arg8[%mul3A_4] : memref<10000xf32, #tpu.memory_space<hbm>> -> memref<400xf32, #tpu.memory_space<hbm>>
      tpu.wait_dma2 semaphore(%arg23 : memref<!tpu.dma_semaphore, #tpu.memory_space<semaphore_mem>>) src(%arg19 : memref<400xf32, #tpu.memory_space<vmem>>) dst(%dma_wait3A_109 : memref<400xf32, #tpu.memory_space<hbm>>)
      %add3A_110 = arith.constant 320000 : i32
      %add3A_111 = arith.addi %add3A_110, %mul3A_4 : i32
      %dma_start3A_112 = tpu.memref_slice %arg9[%add3A_111] : memref<330000xf32, #tpu.memory_space<hbm>> -> memref<400xf32, #tpu.memory_space<hbm>>
      %dma_start3A_113 = tpu.memref_slice %arg9[%add3A_111] : memref<330000xf32, #tpu.memory_space<hbm>> -> memref<400xf32, #tpu.memory_space<hbm>>
      tpu.enqueue_dma source(%arg20 : memref<400xf32, #tpu.memory_space<vmem>>) target(%dma_start3A_113 : memref<400xf32, #tpu.memory_space<hbm>>) target_semaphore(%arg23 : memref<!tpu.dma_semaphore, #tpu.memory_space<semaphore_mem>>)
      %dma_wait3A_114 = tpu.memref_slice %arg9[%add3A_111] : memref<330000xf32, #tpu.memory_space<hbm>> -> memref<400xf32, #tpu.memory_space<hbm>>
      %dma_wait3A_115 = tpu.memref_slice %arg9[%add3A_111] : memref<330000xf32, #tpu.memory_space<hbm>> -> memref<400xf32, #tpu.memory_space<hbm>>
      tpu.wait_dma2 semaphore(%arg23 : memref<!tpu.dma_semaphore, #tpu.memory_space<semaphore_mem>>) src(%arg20 : memref<400xf32, #tpu.memory_space<vmem>>) dst(%dma_wait3A_115 : memref<400xf32, #tpu.memory_space<hbm>>)
    } else {
    }
    %dma_wait3A_97 = tpu.memref_slice %arg9[%mul3A_2] : memref<330000xf32, #tpu.memory_space<hbm>> -> memref<10000xf32, #tpu.memory_space<hbm>>
    %dma_wait3A_98 = tpu.memref_slice %arg9[%mul3A_2] : memref<330000xf32, #tpu.memory_space<hbm>> -> memref<10000xf32, #tpu.memory_space<hbm>>
    tpu.wait_dma2 semaphore(%arg23 : memref<!tpu.dma_semaphore, #tpu.memory_space<semaphore_mem>>) src(%arg18 : memref<10000xf32, #tpu.memory_space<vmem>>) dst(%dma_wait3A_98 : memref<10000xf32, #tpu.memory_space<hbm>>)
    return
  }
}

#map = affine_map<(d0, d1) -> (0, 0)>
#map1 = affine_map<(d0, d1) -> (0)>
#map2 = affine_map<(d0, d1) -> (0, 0, 0)>
module attributes {stable_mosaic.version = 14 : i64} {
  func.func @_pass1(%arg0: i32, %arg1: i32, %arg2: memref<1x10000xf32, #tpu.memory_space<hbm>>, %arg3: memref<640000xi32, #tpu.memory_space<hbm>>, %arg4: memref<3x16xf32, #tpu.memory_space<hbm>>, %arg5: memref<79x128xf32, #tpu.memory_space<hbm>>, %arg6: memref<79xi32, #tpu.memory_space<hbm>>, %arg7: memref<320000xf32, #tpu.memory_space<hbm>>, %arg8: memref<10000xf32, #tpu.memory_space<hbm>>, %arg9: memref<2x79x128xf32, #tpu.memory_space<hbm>>, %arg10: memref<2x79x128xf32, #tpu.memory_space<hbm>>, %arg11: memref<660000xi32, #tpu.memory_space<hbm>>, %arg12: memref<10000xf32, #tpu.memory_space<vmem>>, %arg13: memref<10000xi32, #tpu.memory_space<vmem>>, %arg14: memref<10000xi32, #tpu.memory_space<vmem>>, %arg15: memref<10000xf32, #tpu.memory_space<vmem>>, %arg16: memref<400xf32, #tpu.memory_space<vmem>>, %arg17: memref<400xi32, #tpu.memory_space<vmem>>, %arg18: memref<79x128xf32, #tpu.memory_space<vmem>>, %arg19: memref<79x128xf32, #tpu.memory_space<vmem>>, %arg20: memref<3x16xf32, #tpu.memory_space<vmem>>, %arg21: memref<79xi32, #tpu.memory_space<vmem>>, %arg22: memref<79x128xf32, #tpu.memory_space<vmem_shared>>, %arg23: memref<79x128xf32, #tpu.memory_space<vmem_shared>>, %arg24: memref<!tpu.dma_semaphore, #tpu.memory_space<semaphore_mem>>, %arg25: memref<!tpu.dma_semaphore, #tpu.memory_space<semaphore_mem>>) attributes {dimension_semantics = [#tpu.dimension_semantics<core_parallel>, #tpu.dimension_semantics<subcore_parallel>], iteration_bounds = array<i64: 2, 16>, scalar_prefetch = 0 : i64, scratch_operands = 14 : i64, tpu.core_type = #tpu.core_type<sc_vector_subcore>, window_params = [{transform_indices = #map}, {transform_indices = #map1}, {transform_indices = #map}, {transform_indices = #map}, {transform_indices = #map1}, {transform_indices = #map1}, {transform_indices = #map1}, {transform_indices = #map2}, {transform_indices = #map2}, {transform_indices = #map1}]} {
    %mul3A = arith.constant 2 : i32
    %mul3A_0 = arith.muli %arg1, %mul3A : i32
    %add3A = arith.addi %mul3A_0, %arg0 : i32
    %mul3A_1 = arith.constant 10000 : i32
    %mul3A_2 = arith.muli %add3A, %mul3A_1 : i32
    %mul3A_3 = arith.constant 400 : i32
    %mul3A_4 = arith.muli %add3A, %mul3A_3 : i32
    %eq3A = arith.constant 0 : i32
    %eq3A_5 = arith.cmpi eq, %arg1, %eq3A : i32
    %convert_element_type3A = arith.extui %eq3A_5 : i1 to i32
    %cond3A = arith.constant 0 : i32
    %cond3A_6 = arith.cmpi ne, %convert_element_type3A, %cond3A : i32
    scf.if %cond3A_6 {
      "tpu.region"() ({
        %run_scoped3A = tpu.sem_alloc : memref<!tpu.dma_semaphore, #tpu.memory_space<semaphore_mem>>
        tpu.enqueue_dma source(%arg5 : memref<79x128xf32, #tpu.memory_space<hbm>>) target(%arg22 : memref<79x128xf32, #tpu.memory_space<vmem_shared>>) target_semaphore(%run_scoped3A : memref<!tpu.dma_semaphore, #tpu.memory_space<semaphore_mem>>)
        tpu.wait_dma2 semaphore(%run_scoped3A : memref<!tpu.dma_semaphore, #tpu.memory_space<semaphore_mem>>) src(%arg5 : memref<79x128xf32, #tpu.memory_space<hbm>>) dst(%arg22 : memref<79x128xf32, #tpu.memory_space<vmem_shared>>)
        tpu.yield
      }) : () -> ()
      "tpu.region"() ({
        %run_scoped3A = tpu.sem_alloc : memref<!tpu.dma_semaphore, #tpu.memory_space<semaphore_mem>>
        tpu.enqueue_dma source(%arg5 : memref<79x128xf32, #tpu.memory_space<hbm>>) target(%arg23 : memref<79x128xf32, #tpu.memory_space<vmem_shared>>) target_semaphore(%run_scoped3A : memref<!tpu.dma_semaphore, #tpu.memory_space<semaphore_mem>>)
        tpu.wait_dma2 semaphore(%run_scoped3A : memref<!tpu.dma_semaphore, #tpu.memory_space<semaphore_mem>>) src(%arg5 : memref<79x128xf32, #tpu.memory_space<hbm>>) dst(%arg23 : memref<79x128xf32, #tpu.memory_space<vmem_shared>>)
        tpu.yield
      }) : () -> ()
    } else {
    }
    %dma_start3A = arith.constant 0 : i32
    %dma_start3A_7 = arith.constant 0 : i32
    %dma_start3A_8 = tpu.memref_slice %arg2[%dma_start3A, %dma_start3A_7] : memref<1x10000xf32, #tpu.memory_space<hbm>> -> memref<1x10000xf32, #tpu.memory_space<hbm>>
    %dma_start3A_9 = tpu.memref_squeeze %dma_start3A_8 : memref<1x10000xf32, #tpu.memory_space<hbm>> -> memref<10000xf32, #tpu.memory_space<hbm>>
    %dma_start3A_10 = arith.constant 0 : i32
    %dma_start3A_11 = tpu.memref_slice %arg2[%dma_start3A, %dma_start3A_10] : memref<1x10000xf32, #tpu.memory_space<hbm>> -> memref<1x10000xf32, #tpu.memory_space<hbm>>
    %dma_start3A_12 = tpu.memref_squeeze %dma_start3A_11 : memref<1x10000xf32, #tpu.memory_space<hbm>> -> memref<10000xf32, #tpu.memory_space<hbm>>
    tpu.enqueue_dma source(%dma_start3A_12 : memref<10000xf32, #tpu.memory_space<hbm>>) target(%arg12 : memref<10000xf32, #tpu.memory_space<vmem>>) target_semaphore(%arg24 : memref<!tpu.dma_semaphore, #tpu.memory_space<semaphore_mem>>)
    %dma_start3A_13 = tpu.memref_slice %arg3[%mul3A_2] : memref<640000xi32, #tpu.memory_space<hbm>> -> memref<10000xi32, #tpu.memory_space<hbm>>
    %dma_start3A_14 = tpu.memref_slice %arg3[%mul3A_2] : memref<640000xi32, #tpu.memory_space<hbm>> -> memref<10000xi32, #tpu.memory_space<hbm>>
    tpu.enqueue_dma source(%dma_start3A_14 : memref<10000xi32, #tpu.memory_space<hbm>>) target(%arg13 : memref<10000xi32, #tpu.memory_space<vmem>>) target_semaphore(%arg24 : memref<!tpu.dma_semaphore, #tpu.memory_space<semaphore_mem>>)
    %add3A_15 = arith.constant 320000 : i32
    %add3A_16 = arith.addi %add3A_15, %mul3A_2 : i32
    %dma_start3A_17 = tpu.memref_slice %arg3[%add3A_16] : memref<640000xi32, #tpu.memory_space<hbm>> -> memref<10000xi32, #tpu.memory_space<hbm>>
    %dma_start3A_18 = tpu.memref_slice %arg3[%add3A_16] : memref<640000xi32, #tpu.memory_space<hbm>> -> memref<10000xi32, #tpu.memory_space<hbm>>
    tpu.enqueue_dma source(%dma_start3A_18 : memref<10000xi32, #tpu.memory_space<hbm>>) target(%arg14 : memref<10000xi32, #tpu.memory_space<vmem>>) target_semaphore(%arg24 : memref<!tpu.dma_semaphore, #tpu.memory_space<semaphore_mem>>)
    tpu.enqueue_dma source(%arg4 : memref<3x16xf32, #tpu.memory_space<hbm>>) target(%arg20 : memref<3x16xf32, #tpu.memory_space<vmem>>) target_semaphore(%arg24 : memref<!tpu.dma_semaphore, #tpu.memory_space<semaphore_mem>>)
    tpu.enqueue_dma source(%arg6 : memref<79xi32, #tpu.memory_space<hbm>>) target(%arg21 : memref<79xi32, #tpu.memory_space<vmem>>) target_semaphore(%arg24 : memref<!tpu.dma_semaphore, #tpu.memory_space<semaphore_mem>>)
    %broadcast_in_dim3A = arith.constant 0.000000e+00 : f32
    %broadcast_in_dim3A_19 = vector.broadcast %broadcast_in_dim3A : f32 to vector<16xf32>
    %parallel_loop3A = arith.constant 0 : i32
    %parallel_loop3A_20 = arith.constant 79 : i32
    %parallel_loop3A_21 = arith.constant 1 : i32
    scf.for %parallel_loop3A_66 = %parallel_loop3A to %parallel_loop3A_20 step %parallel_loop3A_21  : i32 {
      %parallel_loop3A_67 = arith.index_cast %parallel_loop3A_66 : i32 to index
      %parallel_loop3A_68 = arith.constant 0 : index
      %parallel_loop3A_69 = tpu.vector_load %arg18[%parallel_loop3A_67, %parallel_loop3A_68] {strides = array<i32>} : memref<79x128xf32, #tpu.memory_space<vmem>>, vector<16xf32>,
      tpu.vector_store %arg18[%parallel_loop3A_67, %parallel_loop3A_68], %broadcast_in_dim3A_19 {strides = array<i32>} : memref<79x128xf32, #tpu.memory_space<vmem>>, vector<16xf32>,
      %parallel_loop3A_70 = arith.index_cast %parallel_loop3A_66 : i32 to index
      %parallel_loop3A_71 = arith.constant 0 : index
      %parallel_loop3A_72 = tpu.vector_load %arg19[%parallel_loop3A_70, %parallel_loop3A_71] {strides = array<i32>} : memref<79x128xf32, #tpu.memory_space<vmem>>, vector<16xf32>,
      tpu.vector_store %arg19[%parallel_loop3A_70, %parallel_loop3A_71], %broadcast_in_dim3A_19 {strides = array<i32>} : memref<79x128xf32, #tpu.memory_space<vmem>>, vector<16xf32>,
      %parallel_loop3A_73 = arith.index_cast %parallel_loop3A_66 : i32 to index
      %parallel_loop3A_74 = arith.constant 16 : index
      %parallel_loop3A_75 = tpu.vector_load %arg18[%parallel_loop3A_73, %parallel_loop3A_74] {strides = array<i32>} : memref<79x128xf32, #tpu.memory_space<vmem>>, vector<16xf32>,
      tpu.vector_store %arg18[%parallel_loop3A_73, %parallel_loop3A_74], %broadcast_in_dim3A_19 {strides = array<i32>} : memref<79x128xf32, #tpu.memory_space<vmem>>, vector<16xf32>,
      %parallel_loop3A_76 = arith.index_cast %parallel_loop3A_66 : i32 to index
      %parallel_loop3A_77 = arith.constant 16 : index
      %parallel_loop3A_78 = tpu.vector_load %arg19[%parallel_loop3A_76, %parallel_loop3A_77] {strides = array<i32>} : memref<79x128xf32, #tpu.memory_space<vmem>>, vector<16xf32>,
      tpu.vector_store %arg19[%parallel_loop3A_76, %parallel_loop3A_77], %broadcast_in_dim3A_19 {strides = array<i32>} : memref<79x128xf32, #tpu.memory_space<vmem>>, vector<16xf32>,
      %parallel_loop3A_79 = arith.index_cast %parallel_loop3A_66 : i32 to index
      %parallel_loop3A_80 = arith.constant 32 : index
      %parallel_loop3A_81 = tpu.vector_load %arg18[%parallel_loop3A_79, %parallel_loop3A_80] {strides = array<i32>} : memref<79x128xf32, #tpu.memory_space<vmem>>, vector<16xf32>,
      tpu.vector_store %arg18[%parallel_loop3A_79, %parallel_loop3A_80], %broadcast_in_dim3A_19 {strides = array<i32>} : memref<79x128xf32, #tpu.memory_space<vmem>>, vector<16xf32>,
      %parallel_loop3A_82 = arith.index_cast %parallel_loop3A_66 : i32 to index
      %parallel_loop3A_83 = arith.constant 32 : index
      %parallel_loop3A_84 = tpu.vector_load %arg19[%parallel_loop3A_82, %parallel_loop3A_83] {strides = array<i32>} : memref<79x128xf32, #tpu.memory_space<vmem>>, vector<16xf32>,
      tpu.vector_store %arg19[%parallel_loop3A_82, %parallel_loop3A_83], %broadcast_in_dim3A_19 {strides = array<i32>} : memref<79x128xf32, #tpu.memory_space<vmem>>, vector<16xf32>,
      %parallel_loop3A_85 = arith.index_cast %parallel_loop3A_66 : i32 to index
      %parallel_loop3A_86 = arith.constant 48 : index
      %parallel_loop3A_87 = tpu.vector_load %arg18[%parallel_loop3A_85, %parallel_loop3A_86] {strides = array<i32>} : memref<79x128xf32, #tpu.memory_space<vmem>>, vector<16xf32>,
      tpu.vector_store %arg18[%parallel_loop3A_85, %parallel_loop3A_86], %broadcast_in_dim3A_19 {strides = array<i32>} : memref<79x128xf32, #tpu.memory_space<vmem>>, vector<16xf32>,
      %parallel_loop3A_88 = arith.index_cast %parallel_loop3A_66 : i32 to index
      %parallel_loop3A_89 = arith.constant 48 : index
      %parallel_loop3A_90 = tpu.vector_load %arg19[%parallel_loop3A_88, %parallel_loop3A_89] {strides = array<i32>} : memref<79x128xf32, #tpu.memory_space<vmem>>, vector<16xf32>,
      tpu.vector_store %arg19[%parallel_loop3A_88, %parallel_loop3A_89], %broadcast_in_dim3A_19 {strides = array<i32>} : memref<79x128xf32, #tpu.memory_space<vmem>>, vector<16xf32>,
      %parallel_loop3A_91 = arith.index_cast %parallel_loop3A_66 : i32 to index
      %parallel_loop3A_92 = arith.constant 64 : index
      %parallel_loop3A_93 = tpu.vector_load %arg18[%parallel_loop3A_91, %parallel_loop3A_92] {strides = array<i32>} : memref<79x128xf32, #tpu.memory_space<vmem>>, vector<16xf32>,
      tpu.vector_store %arg18[%parallel_loop3A_91, %parallel_loop3A_92], %broadcast_in_dim3A_19 {strides = array<i32>} : memref<79x128xf32, #tpu.memory_space<vmem>>, vector<16xf32>,
      %parallel_loop3A_94 = arith.index_cast %parallel_loop3A_66 : i32 to index
      %parallel_loop3A_95 = arith.constant 64 : index
      %parallel_loop3A_96 = tpu.vector_load %arg19[%parallel_loop3A_94, %parallel_loop3A_95] {strides = array<i32>} : memref<79x128xf32, #tpu.memory_space<vmem>>, vector<16xf32>,
      tpu.vector_store %arg19[%parallel_loop3A_94, %parallel_loop3A_95], %broadcast_in_dim3A_19 {strides = array<i32>} : memref<79x128xf32, #tpu.memory_space<vmem>>, vector<16xf32>,
      %parallel_loop3A_97 = arith.index_cast %parallel_loop3A_66 : i32 to index
      %parallel_loop3A_98 = arith.constant 80 : index
      %parallel_loop3A_99 = tpu.vector_load %arg18[%parallel_loop3A_97, %parallel_loop3A_98] {strides = array<i32>} : memref<79x128xf32, #tpu.memory_space<vmem>>, vector<16xf32>,
      tpu.vector_store %arg18[%parallel_loop3A_97, %parallel_loop3A_98], %broadcast_in_dim3A_19 {strides = array<i32>} : memref<79x128xf32, #tpu.memory_space<vmem>>, vector<16xf32>,
      %parallel_loop3A_100 = arith.index_cast %parallel_loop3A_66 : i32 to index
      %parallel_loop3A_101 = arith.constant 80 : index
      %parallel_loop3A_102 = tpu.vector_load %arg19[%parallel_loop3A_100, %parallel_loop3A_101] {strides = array<i32>} : memref<79x128xf32, #tpu.memory_space<vmem>>, vector<16xf32>,
      tpu.vector_store %arg19[%parallel_loop3A_100, %parallel_loop3A_101], %broadcast_in_dim3A_19 {strides = array<i32>} : memref<79x128xf32, #tpu.memory_space<vmem>>, vector<16xf32>,
      %parallel_loop3A_103 = arith.index_cast %parallel_loop3A_66 : i32 to index
      %parallel_loop3A_104 = arith.constant 96 : index
      %parallel_loop3A_105 = tpu.vector_load %arg18[%parallel_loop3A_103, %parallel_loop3A_104] {strides = array<i32>} : memref<79x128xf32, #tpu.memory_space<vmem>>, vector<16xf32>,
      tpu.vector_store %arg18[%parallel_loop3A_103, %parallel_loop3A_104], %broadcast_in_dim3A_19 {strides = array<i32>} : memref<79x128xf32, #tpu.memory_space<vmem>>, vector<16xf32>,
      %parallel_loop3A_106 = arith.index_cast %parallel_loop3A_66 : i32 to index
      %parallel_loop3A_107 = arith.constant 96 : index
      %parallel_loop3A_108 = tpu.vector_load %arg19[%parallel_loop3A_106, %parallel_loop3A_107] {strides = array<i32>} : memref<79x128xf32, #tpu.memory_space<vmem>>, vector<16xf32>,
      tpu.vector_store %arg19[%parallel_loop3A_106, %parallel_loop3A_107], %broadcast_in_dim3A_19 {strides = array<i32>} : memref<79x128xf32, #tpu.memory_space<vmem>>, vector<16xf32>,
      %parallel_loop3A_109 = arith.index_cast %parallel_loop3A_66 : i32 to index
      %parallel_loop3A_110 = arith.constant 112 : index
      %parallel_loop3A_111 = tpu.vector_load %arg18[%parallel_loop3A_109, %parallel_loop3A_110] {strides = array<i32>} : memref<79x128xf32, #tpu.memory_space<vmem>>, vector<16xf32>,
      tpu.vector_store %arg18[%parallel_loop3A_109, %parallel_loop3A_110], %broadcast_in_dim3A_19 {strides = array<i32>} : memref<79x128xf32, #tpu.memory_space<vmem>>, vector<16xf32>,
      %parallel_loop3A_112 = arith.index_cast %parallel_loop3A_66 : i32 to index
      %parallel_loop3A_113 = arith.constant 112 : index
      %parallel_loop3A_114 = tpu.vector_load %arg19[%parallel_loop3A_112, %parallel_loop3A_113] {strides = array<i32>} : memref<79x128xf32, #tpu.memory_space<vmem>>, vector<16xf32>,
      tpu.vector_store %arg19[%parallel_loop3A_112, %parallel_loop3A_113], %broadcast_in_dim3A_19 {strides = array<i32>} : memref<79x128xf32, #tpu.memory_space<vmem>>, vector<16xf32>,
    } {sc.loop_unroll_factor = 8 : i64, sc.parallel_access}
    %dma_wait3A = arith.constant 0 : i32
    %dma_wait3A_22 = arith.constant 0 : i32
    %dma_wait3A_23 = tpu.memref_slice %arg2[%dma_wait3A, %dma_wait3A_22] : memref<1x10000xf32, #tpu.memory_space<hbm>> -> memref<1x10000xf32, #tpu.memory_space<hbm>>
    %dma_wait3A_24 = tpu.memref_squeeze %dma_wait3A_23 : memref<1x10000xf32, #tpu.memory_space<hbm>> -> memref<10000xf32, #tpu.memory_space<hbm>>
    %dma_wait3A_25 = arith.constant 0 : i32
    %dma_wait3A_26 = tpu.memref_slice %arg2[%dma_wait3A, %dma_wait3A_25] : memref<1x10000xf32, #tpu.memory_space<hbm>> -> memref<1x10000xf32, #tpu.memory_space<hbm>>
    %dma_wait3A_27 = tpu.memref_squeeze %dma_wait3A_26 : memref<1x10000xf32, #tpu.memory_space<hbm>> -> memref<10000xf32, #tpu.memory_space<hbm>>
    tpu.wait_dma2 semaphore(%arg24 : memref<!tpu.dma_semaphore, #tpu.memory_space<semaphore_mem>>) src(%dma_wait3A_27 : memref<10000xf32, #tpu.memory_space<hbm>>) dst(%arg12 : memref<10000xf32, #tpu.memory_space<vmem>>)
    %dma_wait3A_28 = tpu.memref_slice %arg3[%mul3A_2] : memref<640000xi32, #tpu.memory_space<hbm>> -> memref<10000xi32, #tpu.memory_space<hbm>>
    %dma_wait3A_29 = tpu.memref_slice %arg3[%mul3A_2] : memref<640000xi32, #tpu.memory_space<hbm>> -> memref<10000xi32, #tpu.memory_space<hbm>>
    tpu.wait_dma2 semaphore(%arg24 : memref<!tpu.dma_semaphore, #tpu.memory_space<semaphore_mem>>) src(%dma_wait3A_29 : memref<10000xi32, #tpu.memory_space<hbm>>) dst(%arg13 : memref<10000xi32, #tpu.memory_space<vmem>>)
    %dma_wait3A_30 = tpu.memref_slice %arg3[%add3A_16] : memref<640000xi32, #tpu.memory_space<hbm>> -> memref<10000xi32, #tpu.memory_space<hbm>>
    %dma_wait3A_31 = tpu.memref_slice %arg3[%add3A_16] : memref<640000xi32, #tpu.memory_space<hbm>> -> memref<10000xi32, #tpu.memory_space<hbm>>
    tpu.wait_dma2 semaphore(%arg24 : memref<!tpu.dma_semaphore, #tpu.memory_space<semaphore_mem>>) src(%dma_wait3A_31 : memref<10000xi32, #tpu.memory_space<hbm>>) dst(%arg14 : memref<10000xi32, #tpu.memory_space<vmem>>)
    tpu.wait_dma2 semaphore(%arg24 : memref<!tpu.dma_semaphore, #tpu.memory_space<semaphore_mem>>) src(%arg4 : memref<3x16xf32, #tpu.memory_space<hbm>>) dst(%arg20 : memref<3x16xf32, #tpu.memory_space<vmem>>)
    %get3A = arith.constant 0 : i32
    %get3A_32 = arith.index_cast %get3A : i32 to index
    %get3A_33 = arith.constant 0 : index
    %get3A_34 = tpu.vector_load %arg20[%get3A_32, %get3A_33] {strides = array<i32>} : memref<3x16xf32, #tpu.memory_space<vmem>>, vector<16xf32>,
    %get3A_35 = arith.constant 1 : i32
    %get3A_36 = arith.index_cast %get3A_35 : i32 to index
    %get3A_37 = arith.constant 0 : index
    %get3A_38 = tpu.vector_load %arg20[%get3A_36, %get3A_37] {strides = array<i32>} : memref<3x16xf32, #tpu.memory_space<vmem>>, vector<16xf32>,
    %dma_start3A_39 = tpu.memref_slice %arg11[%mul3A_2] : memref<660000xi32, #tpu.memory_space<hbm>> -> memref<10000xi32, #tpu.memory_space<hbm>>
    %dma_start3A_40 = tpu.memref_slice %arg11[%mul3A_2] : memref<660000xi32, #tpu.memory_space<hbm>> -> memref<10000xi32, #tpu.memory_space<hbm>>
    tpu.enqueue_dma source(%arg13 : memref<10000xi32, #tpu.memory_space<vmem>>) target(%dma_start3A_40 : memref<10000xi32, #tpu.memory_space<hbm>>) target_semaphore(%arg25 : memref<!tpu.dma_semaphore, #tpu.memory_space<semaphore_mem>>)
    %add3A_41 = arith.constant 330000 : i32
    %add3A_42 = arith.addi %add3A_41, %mul3A_2 : i32
    %dma_start3A_43 = tpu.memref_slice %arg11[%add3A_42] : memref<660000xi32, #tpu.memory_space<hbm>> -> memref<10000xi32, #tpu.memory_space<hbm>>
    %dma_start3A_44 = tpu.memref_slice %arg11[%add3A_42] : memref<660000xi32, #tpu.memory_space<hbm>> -> memref<10000xi32, #tpu.memory_space<hbm>>
    tpu.enqueue_dma source(%arg14 : memref<10000xi32, #tpu.memory_space<vmem>>) target(%dma_start3A_44 : memref<10000xi32, #tpu.memory_space<hbm>>) target_semaphore(%arg25 : memref<!tpu.dma_semaphore, #tpu.memory_space<semaphore_mem>>)
    %parallel_loop3A_45 = arith.constant 0 : i32
    %parallel_loop3A_46 = arith.constant 625 : i32
    %parallel_loop3A_47 = arith.constant 1 : i32
    scf.for %parallel_loop3A_66 = %parallel_loop3A_45 to %parallel_loop3A_46 step %parallel_loop3A_47  : i32 {
      %parallel_loop3A_67 = arith.constant 16 : i32
      %parallel_loop3A_68 = arith.muli %parallel_loop3A_66, %parallel_loop3A_67 : i32
      %parallel_loop3A_69 = tpu.assume_multiple %parallel_loop3A_68, 16 : i32
      %parallel_loop3A_70 = arith.index_cast %parallel_loop3A_69 : i32 to index
      %parallel_loop3A_71 = tpu.vector_load %arg13[%parallel_loop3A_70] {strides = array<i32>} : memref<10000xi32, #tpu.memory_space<vmem>>, vector<16xi32>,
      %parallel_loop3A_72 = arith.index_cast %parallel_loop3A_69 : i32 to index
      %parallel_loop3A_73 = tpu.vector_load %arg14[%parallel_loop3A_72] {strides = array<i32>} : memref<10000xi32, #tpu.memory_space<vmem>>, vector<16xi32>,
      %parallel_loop3A_74 = tpu.vector_load_idx %arg12[%parallel_loop3A_71] : memref<10000xf32, #tpu.memory_space<vmem>>[vector<16xi32>], vector<16xf32>,
      %parallel_loop3A_75 = tpu.vector_load_idx %arg12[%parallel_loop3A_73] : memref<10000xf32, #tpu.memory_space<vmem>>[vector<16xi32>], vector<16xf32>,
      %parallel_loop3A_76 = arith.mulf %get3A_34, %parallel_loop3A_74 : vector<16xf32>
      %parallel_loop3A_77 = arith.mulf %get3A_38, %parallel_loop3A_75 : vector<16xf32>
      %parallel_loop3A_78 = arith.addf %parallel_loop3A_76, %parallel_loop3A_77 : vector<16xf32>
      %parallel_loop3A_79 = arith.constant 2.000000e-01 : f32
      %parallel_loop3A_80 = vector.broadcast %parallel_loop3A_79 : f32 to vector<16xf32>
      %parallel_loop3A_81 = arith.mulf %parallel_loop3A_80, %parallel_loop3A_78 : vector<16xf32>
      %parallel_loop3A_82 = arith.maximumf %parallel_loop3A_78, %parallel_loop3A_81 : vector<16xf32>
      %parallel_loop3A_83 = math.exp %parallel_loop3A_82 : vector<16xf32>
      %parallel_loop3A_84 = arith.index_cast %parallel_loop3A_69 : i32 to index
      %parallel_loop3A_85 = tpu.vector_load %arg15[%parallel_loop3A_84] {strides = array<i32>} : memref<10000xf32, #tpu.memory_space<vmem>>, vector<16xf32>,
      tpu.vector_store %arg15[%parallel_loop3A_84], %parallel_loop3A_83 {strides = array<i32>} : memref<10000xf32, #tpu.memory_space<vmem>>, vector<16xf32>,
      %parallel_loop3A_86 = arith.constant 7 : i32
      %parallel_loop3A_87 = vector.broadcast %parallel_loop3A_86 : i32 to vector<16xi32>
      %parallel_loop3A_88 = arith.shrui %parallel_loop3A_73, %parallel_loop3A_87 : vector<16xi32>
      %parallel_loop3A_89 = arith.constant 127 : i32
      %parallel_loop3A_90 = vector.broadcast %parallel_loop3A_89 : i32 to vector<16xi32>
      %parallel_loop3A_91 = arith.andi %parallel_loop3A_73, %parallel_loop3A_90 : vector<16xi32>
      tpu.vector_store_idx %arg19[%parallel_loop3A_88, %parallel_loop3A_91], %parallel_loop3A_83 {add = true} : memref<79x128xf32, #tpu.memory_space<vmem>>[vector<16xi32>, vector<16xi32>], vector<16xf32>,
      %parallel_loop3A_92 = arith.mulf %parallel_loop3A_74, %parallel_loop3A_83 : vector<16xf32>
      tpu.vector_store_idx %arg18[%parallel_loop3A_88, %parallel_loop3A_91], %parallel_loop3A_92 {add = true} : memref<79x128xf32, #tpu.memory_space<vmem>>[vector<16xi32>, vector<16xi32>], vector<16xf32>,
    } {sc.loop_unroll_factor = 8 : i64, sc.parallel_access}
    %dma_start3A_48 = tpu.memref_slice %arg7[%mul3A_2] : memref<320000xf32, #tpu.memory_space<hbm>> -> memref<10000xf32, #tpu.memory_space<hbm>>
    %dma_start3A_49 = tpu.memref_slice %arg7[%mul3A_2] : memref<320000xf32, #tpu.memory_space<hbm>> -> memref<10000xf32, #tpu.memory_space<hbm>>
    tpu.enqueue_dma source(%arg15 : memref<10000xf32, #tpu.memory_space<vmem>>) target(%dma_start3A_49 : memref<10000xf32, #tpu.memory_space<hbm>>) target_semaphore(%arg25 : memref<!tpu.dma_semaphore, #tpu.memory_space<semaphore_mem>>)
    %lt3A = arith.constant 25 : i32
    %lt3A_50 = arith.cmpi slt, %add3A, %lt3A : i32
    %convert_element_type3A_51 = arith.extui %lt3A_50 : i1 to i32
    %cond3A_52 = arith.constant 0 : i32
    %cond3A_53 = arith.cmpi ne, %convert_element_type3A_51, %cond3A_52 : i32
    scf.if %cond3A_53 {
      %parallel_loop3A_66 = arith.constant 0 : i32
      %parallel_loop3A_67 = arith.constant 25 : i32
      %parallel_loop3A_68 = arith.constant 1 : i32
      scf.for %parallel_loop3A_85 = %parallel_loop3A_66 to %parallel_loop3A_67 step %parallel_loop3A_68  : i32 {
        %parallel_loop3A_86 = arith.constant 16 : i32
        %parallel_loop3A_87 = arith.muli %parallel_loop3A_85, %parallel_loop3A_86 : i32
        %parallel_loop3A_88 = tpu.assume_multiple %parallel_loop3A_87, 16 : i32
        %parallel_loop3A_89 = arith.addi %mul3A_4, %parallel_loop3A_88 : i32
        %parallel_loop3A_90 = arith.index_cast %parallel_loop3A_89 : i32 to index
        %parallel_loop3A_91 = tpu.vector_load %arg12[%parallel_loop3A_90] {strides = array<i32>} : memref<10000xf32, #tpu.memory_space<vmem>>, vector<16xf32>,
        %parallel_loop3A_92 = arith.addf %get3A_34, %get3A_38 : vector<16xf32>
        %parallel_loop3A_93 = arith.mulf %parallel_loop3A_92, %parallel_loop3A_91 : vector<16xf32>
        %parallel_loop3A_94 = arith.constant 2.000000e-01 : f32
        %parallel_loop3A_95 = vector.broadcast %parallel_loop3A_94 : f32 to vector<16xf32>
        %parallel_loop3A_96 = arith.mulf %parallel_loop3A_95, %parallel_loop3A_93 : vector<16xf32>
        %parallel_loop3A_97 = arith.maximumf %parallel_loop3A_93, %parallel_loop3A_96 : vector<16xf32>
        %parallel_loop3A_98 = math.exp %parallel_loop3A_97 : vector<16xf32>
        %parallel_loop3A_99 = arith.index_cast %parallel_loop3A_88 : i32 to index
        %parallel_loop3A_100 = tpu.vector_load %arg16[%parallel_loop3A_99] {strides = array<i32>} : memref<400xf32, #tpu.memory_space<vmem>>, vector<16xf32>,
        tpu.vector_store %arg16[%parallel_loop3A_99], %parallel_loop3A_98 {strides = array<i32>} : memref<400xf32, #tpu.memory_space<vmem>>, vector<16xf32>,
        %parallel_loop3A_101 = arith.addi %mul3A_4, %parallel_loop3A_88 : i32
        %parallel_loop3A_102 = tpu.iota {dimensions = array<i32: 0>} : vector<16xi32>
        %parallel_loop3A_103 = vector.broadcast %parallel_loop3A_101 : i32 to vector<16xi32>
        %parallel_loop3A_104 = arith.addi %parallel_loop3A_103, %parallel_loop3A_102 : vector<16xi32>
        %parallel_loop3A_105 = arith.index_cast %parallel_loop3A_88 : i32 to index
        %parallel_loop3A_106 = tpu.vector_load %arg17[%parallel_loop3A_105] {strides = array<i32>} : memref<400xi32, #tpu.memory_space<vmem>>, vector<16xi32>,
        tpu.vector_store %arg17[%parallel_loop3A_105], %parallel_loop3A_104 {strides = array<i32>} : memref<400xi32, #tpu.memory_space<vmem>>, vector<16xi32>,
        %parallel_loop3A_107 = arith.constant 7 : i32
        %parallel_loop3A_108 = vector.broadcast %parallel_loop3A_107 : i32 to vector<16xi32>
        %parallel_loop3A_109 = arith.shrui %parallel_loop3A_104, %parallel_loop3A_108 : vector<16xi32>
        %parallel_loop3A_110 = arith.constant 127 : i32
        %parallel_loop3A_111 = vector.broadcast %parallel_loop3A_110 : i32 to vector<16xi32>
        %parallel_loop3A_112 = arith.andi %parallel_loop3A_104, %parallel_loop3A_111 : vector<16xi32>
        %parallel_loop3A_113 = arith.mulf %parallel_loop3A_91, %parallel_loop3A_98 : vector<16xf32>
        tpu.vector_store_idx %arg18[%parallel_loop3A_109, %parallel_loop3A_112], %parallel_loop3A_113 {add = true} : memref<79x128xf32, #tpu.memory_space<vmem>>[vector<16xi32>, vector<16xi32>], vector<16xf32>,
        tpu.vector_store_idx %arg19[%parallel_loop3A_109, %parallel_loop3A_112], %parallel_loop3A_98 {add = true} : memref<79x128xf32, #tpu.memory_space<vmem>>[vector<16xi32>, vector<16xi32>], vector<16xf32>,
      } {sc.loop_unroll_factor = 4 : i64, sc.parallel_access}
      %dma_start3A_69 = tpu.memref_slice %arg8[%mul3A_4] : memref<10000xf32, #tpu.memory_space<hbm>> -> memref<400xf32, #tpu.memory_space<hbm>>
      %dma_start3A_70 = tpu.memref_slice %arg8[%mul3A_4] : memref<10000xf32, #tpu.memory_space<hbm>> -> memref<400xf32, #tpu.memory_space<hbm>>
      tpu.enqueue_dma source(%arg16 : memref<400xf32, #tpu.memory_space<vmem>>) target(%dma_start3A_70 : memref<400xf32, #tpu.memory_space<hbm>>) target_semaphore(%arg25 : memref<!tpu.dma_semaphore, #tpu.memory_space<semaphore_mem>>)
      %dma_wait3A_71 = tpu.memref_slice %arg8[%mul3A_4] : memref<10000xf32, #tpu.memory_space<hbm>> -> memref<400xf32, #tpu.memory_space<hbm>>
      %dma_wait3A_72 = tpu.memref_slice %arg8[%mul3A_4] : memref<10000xf32, #tpu.memory_space<hbm>> -> memref<400xf32, #tpu.memory_space<hbm>>
      tpu.wait_dma2 semaphore(%arg25 : memref<!tpu.dma_semaphore, #tpu.memory_space<semaphore_mem>>) src(%arg16 : memref<400xf32, #tpu.memory_space<vmem>>) dst(%dma_wait3A_72 : memref<400xf32, #tpu.memory_space<hbm>>)
      %add3A_73 = arith.constant 320000 : i32
      %add3A_74 = arith.addi %add3A_73, %mul3A_4 : i32
      %dma_start3A_75 = tpu.memref_slice %arg11[%add3A_74] : memref<660000xi32, #tpu.memory_space<hbm>> -> memref<400xi32, #tpu.memory_space<hbm>>
      %dma_start3A_76 = tpu.memref_slice %arg11[%add3A_74] : memref<660000xi32, #tpu.memory_space<hbm>> -> memref<400xi32, #tpu.memory_space<hbm>>
      tpu.enqueue_dma source(%arg17 : memref<400xi32, #tpu.memory_space<vmem>>) target(%dma_start3A_76 : memref<400xi32, #tpu.memory_space<hbm>>) target_semaphore(%arg25 : memref<!tpu.dma_semaphore, #tpu.memory_space<semaphore_mem>>)
      %dma_wait3A_77 = tpu.memref_slice %arg11[%add3A_74] : memref<660000xi32, #tpu.memory_space<hbm>> -> memref<400xi32, #tpu.memory_space<hbm>>
      %dma_wait3A_78 = tpu.memref_slice %arg11[%add3A_74] : memref<660000xi32, #tpu.memory_space<hbm>> -> memref<400xi32, #tpu.memory_space<hbm>>
      tpu.wait_dma2 semaphore(%arg25 : memref<!tpu.dma_semaphore, #tpu.memory_space<semaphore_mem>>) src(%arg17 : memref<400xi32, #tpu.memory_space<vmem>>) dst(%dma_wait3A_78 : memref<400xi32, #tpu.memory_space<hbm>>)
      %add3A_79 = arith.constant 650000 : i32
      %add3A_80 = arith.addi %add3A_79, %mul3A_4 : i32
      %dma_start3A_81 = tpu.memref_slice %arg11[%add3A_80] : memref<660000xi32, #tpu.memory_space<hbm>> -> memref<400xi32, #tpu.memory_space<hbm>>
      %dma_start3A_82 = tpu.memref_slice %arg11[%add3A_80] : memref<660000xi32, #tpu.memory_space<hbm>> -> memref<400xi32, #tpu.memory_space<hbm>>
      tpu.enqueue_dma source(%arg17 : memref<400xi32, #tpu.memory_space<vmem>>) target(%dma_start3A_82 : memref<400xi32, #tpu.memory_space<hbm>>) target_semaphore(%arg25 : memref<!tpu.dma_semaphore, #tpu.memory_space<semaphore_mem>>)
      %dma_wait3A_83 = tpu.memref_slice %arg11[%add3A_80] : memref<660000xi32, #tpu.memory_space<hbm>> -> memref<400xi32, #tpu.memory_space<hbm>>
      %dma_wait3A_84 = tpu.memref_slice %arg11[%add3A_80] : memref<660000xi32, #tpu.memory_space<hbm>> -> memref<400xi32, #tpu.memory_space<hbm>>
      tpu.wait_dma2 semaphore(%arg25 : memref<!tpu.dma_semaphore, #tpu.memory_space<semaphore_mem>>) src(%arg17 : memref<400xi32, #tpu.memory_space<vmem>>) dst(%dma_wait3A_84 : memref<400xi32, #tpu.memory_space<hbm>>)
    } else {
    }
    tpu.wait_dma2 semaphore(%arg24 : memref<!tpu.dma_semaphore, #tpu.memory_space<semaphore_mem>>) src(%arg6 : memref<79xi32, #tpu.memory_space<hbm>>) dst(%arg21 : memref<79xi32, #tpu.memory_space<vmem>>)
    %barrier3A = arith.constant 0 : index
    tpu.barrier barrier_id(%barrier3A)
    "tpu.region"() ({
      %run_scoped3A = tpu.sem_alloc : memref<!tpu.dma_semaphore, #tpu.memory_space<semaphore_mem>>
      %dma_start3A_66 = arith.constant 0 : i32
      %dma_start3A_67 = arith.constant 0 : i32
      %dma_start3A_68 = tpu.memref_slice %arg22[%dma_start3A_66, %dma_start3A_67] : memref<79x128xf32, #tpu.memory_space<vmem_shared>> -> memref<79x128xf32, #tpu.memory_space<vmem_shared>>
      tpu.enqueue_indirect_dma source(%arg18 : memref<79x128xf32, #tpu.memory_space<vmem>>) target(%dma_start3A_68 : memref<79x128xf32, #tpu.memory_space<vmem_shared>>) offsets(%arg21 : memref<79xi32, #tpu.memory_space<vmem>>) semaphore(%run_scoped3A : memref<!tpu.dma_semaphore, #tpu.memory_space<semaphore_mem>>) {add = true}
      %dma_wait3A_69 = arith.constant 0 : i32
      %dma_wait3A_70 = arith.constant 0 : i32
      %dma_wait3A_71 = tpu.memref_slice %arg22[%dma_wait3A_69, %dma_wait3A_70] : memref<79x128xf32, #tpu.memory_space<vmem_shared>> -> memref<79x128xf32, #tpu.memory_space<vmem_shared>>
      tpu.wait_indirect_dma semaphore(%run_scoped3A : memref<!tpu.dma_semaphore, #tpu.memory_space<semaphore_mem>>) src(%arg18 : memref<79x128xf32, #tpu.memory_space<vmem>>) dst(%dma_wait3A_71 : memref<79x128xf32, #tpu.memory_space<vmem_shared>>)
      tpu.yield
    }) : () -> ()
    "tpu.region"() ({
      %run_scoped3A = tpu.sem_alloc : memref<!tpu.dma_semaphore, #tpu.memory_space<semaphore_mem>>
      %dma_start3A_66 = arith.constant 0 : i32
      %dma_start3A_67 = arith.constant 0 : i32
      %dma_start3A_68 = tpu.memref_slice %arg23[%dma_start3A_66, %dma_start3A_67] : memref<79x128xf32, #tpu.memory_space<vmem_shared>> -> memref<79x128xf32, #tpu.memory_space<vmem_shared>>
      tpu.enqueue_indirect_dma source(%arg19 : memref<79x128xf32, #tpu.memory_space<vmem>>) target(%dma_start3A_68 : memref<79x128xf32, #tpu.memory_space<vmem_shared>>) offsets(%arg21 : memref<79xi32, #tpu.memory_space<vmem>>) semaphore(%run_scoped3A : memref<!tpu.dma_semaphore, #tpu.memory_space<semaphore_mem>>) {add = true}
      %dma_wait3A_69 = arith.constant 0 : i32
      %dma_wait3A_70 = arith.constant 0 : i32
      %dma_wait3A_71 = tpu.memref_slice %arg23[%dma_wait3A_69, %dma_wait3A_70] : memref<79x128xf32, #tpu.memory_space<vmem_shared>> -> memref<79x128xf32, #tpu.memory_space<vmem_shared>>
      tpu.wait_indirect_dma semaphore(%run_scoped3A : memref<!tpu.dma_semaphore, #tpu.memory_space<semaphore_mem>>) src(%arg19 : memref<79x128xf32, #tpu.memory_space<vmem>>) dst(%dma_wait3A_71 : memref<79x128xf32, #tpu.memory_space<vmem_shared>>)
      tpu.yield
    }) : () -> ()
    %barrier3A_54 = arith.constant 0 : index
    tpu.barrier barrier_id(%barrier3A_54)
    %eq3A_55 = arith.constant 0 : i32
    %eq3A_56 = arith.cmpi eq, %arg1, %eq3A_55 : i32
    %convert_element_type3A_57 = arith.extui %eq3A_56 : i1 to i32
    %cond3A_58 = arith.constant 0 : i32
    %cond3A_59 = arith.cmpi ne, %convert_element_type3A_57, %cond3A_58 : i32
    scf.if %cond3A_59 {
      "tpu.region"() ({
        %run_scoped3A = tpu.sem_alloc : memref<!tpu.dma_semaphore, #tpu.memory_space<semaphore_mem>>
        %dma_start3A_66 = arith.constant 0 : i32
        %dma_start3A_67 = arith.constant 0 : i32
        %dma_start3A_68 = tpu.memref_slice %arg9[%arg0, %dma_start3A_66, %dma_start3A_67] : memref<2x79x128xf32, #tpu.memory_space<hbm>> -> memref<1x79x128xf32, #tpu.memory_space<hbm>>
        %dma_start3A_69 = tpu.memref_squeeze %dma_start3A_68 : memref<1x79x128xf32, #tpu.memory_space<hbm>> -> memref<79x128xf32, #tpu.memory_space<hbm>>
        tpu.enqueue_dma source(%arg22 : memref<79x128xf32, #tpu.memory_space<vmem_shared>>) target(%dma_start3A_69 : memref<79x128xf32, #tpu.memory_space<hbm>>) target_semaphore(%run_scoped3A : memref<!tpu.dma_semaphore, #tpu.memory_space<semaphore_mem>>)
        %dma_wait3A_70 = arith.constant 0 : i32
        %dma_wait3A_71 = arith.constant 0 : i32
        %dma_wait3A_72 = tpu.memref_slice %arg9[%arg0, %dma_wait3A_70, %dma_wait3A_71] : memref<2x79x128xf32, #tpu.memory_space<hbm>> -> memref<1x79x128xf32, #tpu.memory_space<hbm>>
        %dma_wait3A_73 = tpu.memref_squeeze %dma_wait3A_72 : memref<1x79x128xf32, #tpu.memory_space<hbm>> -> memref<79x128xf32, #tpu.memory_space<hbm>>
        tpu.wait_dma2 semaphore(%run_scoped3A : memref<!tpu.dma_semaphore, #tpu.memory_space<semaphore_mem>>) src(%arg22 : memref<79x128xf32, #tpu.memory_space<vmem_shared>>) dst(%dma_wait3A_73 : memref<79x128xf32, #tpu.memory_space<hbm>>)
        tpu.yield
      }) : () -> ()
      "tpu.region"() ({
        %run_scoped3A = tpu.sem_alloc : memref<!tpu.dma_semaphore, #tpu.memory_space<semaphore_mem>>
        %dma_start3A_66 = arith.constant 0 : i32
        %dma_start3A_67 = arith.constant 0 : i32
        %dma_start3A_68 = tpu.memref_slice %arg10[%arg0, %dma_start3A_66, %dma_start3A_67] : memref<2x79x128xf32, #tpu.memory_space<hbm>> -> memref<1x79x128xf32, #tpu.memory_space<hbm>>
        %dma_start3A_69 = tpu.memref_squeeze %dma_start3A_68 : memref<1x79x128xf32, #tpu.memory_space<hbm>> -> memref<79x128xf32, #tpu.memory_space<hbm>>
        tpu.enqueue_dma source(%arg23 : memref<79x128xf32, #tpu.memory_space<vmem_shared>>) target(%dma_start3A_69 : memref<79x128xf32, #tpu.memory_space<hbm>>) target_semaphore(%run_scoped3A : memref<!tpu.dma_semaphore, #tpu.memory_space<semaphore_mem>>)
        %dma_wait3A_70 = arith.constant 0 : i32
        %dma_wait3A_71 = arith.constant 0 : i32
        %dma_wait3A_72 = tpu.memref_slice %arg10[%arg0, %dma_wait3A_70, %dma_wait3A_71] : memref<2x79x128xf32, #tpu.memory_space<hbm>> -> memref<1x79x128xf32, #tpu.memory_space<hbm>>
        %dma_wait3A_73 = tpu.memref_squeeze %dma_wait3A_72 : memref<1x79x128xf32, #tpu.memory_space<hbm>> -> memref<79x128xf32, #tpu.memory_space<hbm>>
        tpu.wait_dma2 semaphore(%run_scoped3A : memref<!tpu.dma_semaphore, #tpu.memory_space<semaphore_mem>>) src(%arg23 : memref<79x128xf32, #tpu.memory_space<vmem_shared>>) dst(%dma_wait3A_73 : memref<79x128xf32, #tpu.memory_space<hbm>>)
        tpu.yield
      }) : () -> ()
    } else {
    }
    %dma_wait3A_60 = tpu.memref_slice %arg11[%mul3A_2] : memref<660000xi32, #tpu.memory_space<hbm>> -> memref<10000xi32, #tpu.memory_space<hbm>>
    %dma_wait3A_61 = tpu.memref_slice %arg11[%mul3A_2] : memref<660000xi32, #tpu.memory_space<hbm>> -> memref<10000xi32, #tpu.memory_space<hbm>>
    tpu.wait_dma2 semaphore(%arg25 : memref<!tpu.dma_semaphore, #tpu.memory_space<semaphore_mem>>) src(%arg13 : memref<10000xi32, #tpu.memory_space<vmem>>) dst(%dma_wait3A_61 : memref<10000xi32, #tpu.memory_space<hbm>>)
    %dma_wait3A_62 = tpu.memref_slice %arg11[%add3A_42] : memref<660000xi32, #tpu.memory_space<hbm>> -> memref<10000xi32, #tpu.memory_space<hbm>>
    %dma_wait3A_63 = tpu.memref_slice %arg11[%add3A_42] : memref<660000xi32, #tpu.memory_space<hbm>> -> memref<10000xi32, #tpu.memory_space<hbm>>
    tpu.wait_dma2 semaphore(%arg25 : memref<!tpu.dma_semaphore, #tpu.memory_space<semaphore_mem>>) src(%arg14 : memref<10000xi32, #tpu.memory_space<vmem>>) dst(%dma_wait3A_63 : memref<10000xi32, #tpu.memory_space<hbm>>)
    %dma_wait3A_64 = tpu.memref_slice %arg7[%mul3A_2] : memref<320000xf32, #tpu.memory_space<hbm>> -> memref<10000xf32, #tpu.memory_space<hbm>>
    %dma_wait3A_65 = tpu.memref_slice %arg7[%mul3A_2] : memref<320000xf32, #tpu.memory_space<hbm>> -> memref<10000xf32, #tpu.memory_space<hbm>>
    tpu.wait_dma2 semaphore(%arg25 : memref<!tpu.dma_semaphore, #tpu.memory_space<semaphore_mem>>) src(%arg15 : memref<10000xf32, #tpu.memory_space<vmem>>) dst(%dma_wait3A_65 : memref<10000xf32, #tpu.memory_space<hbm>>)
    return
  }
}

module attributes {stable_mosaic.version = 14 : i64} {
  func.func @_tc_matvec(%arg0: memref<10000x128xf32, #tpu.memory_space<vmem>>, %arg1: memref<1x128xf32, #tpu.memory_space<vmem>>, %arg2: memref<1x10000xf32, #tpu.memory_space<vmem>>) attributes {dimension_semantics = [], scalar_prefetch = 0 : i64, scratch_operands = 0 : i64, tpu.core_type = #tpu.core_type<tc>} {
    %get3A = arith.constant 0 : index
    %get3A_0 = arith.constant 0 : index
    %get3A_1 = vector.load %arg1[%get3A, %get3A_0] : memref<1x128xf32, #tpu.memory_space<vmem>>, vector<1x128xf32>
    %get3A_2 = arith.constant 0 : index
    %get3A_3 = arith.constant 0 : index
    %get3A_4 = vector.load %arg0[%get3A_2, %get3A_3] : memref<10000x128xf32, #tpu.memory_space<vmem>>, vector<10000x128xf32>
    %dot_general3A = arith.constant dense<0.000000e+00> : vector<1x10000xf32>
    %dot_general3A_5 = tpu.matmul %get3A_1, %get3A_4, %dot_general3A {dimension_numbers = #tpu.dot_dimension_numbers<[1], [1], [0], [0], [0, 0, 1, 0], [], []>, transpose_lhs_hint = false} : vector<1x128xf32>, vector<10000x128xf32>, vector<1x10000xf32> -> vector<1x10000xf32>
    %swap3A = arith.constant 0 : index
    %swap3A_6 = arith.constant 0 : index
    %swap3A_7 = vector.load %arg2[%swap3A, %swap3A_6] : memref<1x10000xf32, #tpu.memory_space<vmem>>, vector<1x10000xf32>
    tpu.vector_store %arg2[%swap3A, %swap3A_6], %dot_general3A_5 {strides = array<i32>} : memref<1x10000xf32, #tpu.memory_space<vmem>>, vector<1x10000xf32>,
    return
  }
}

</mosaic_0001>

<sc_bundles>
// kernel: kernel.5.cloned.1.call-start
scs
__scs_entry_jumppad:
0x0: {  	(pc) =	sbr.rel $0x88, $3  }
0x1: {  	(tag) =	ssettag $0x0;
	lr =	simm.s32 $0x1  }
0x2: {  	[smem:$0x3F9B] =	sst lr;
	_ =	strace $0xD0000000  }
0x3: {  	_ = 	snop  }
0x4: {  	_ = 	snop  }
0x5: {  	_ = 	snop  }
0x6: {  	_ = 	snop  }
0x7: {  	_ = 	snop  }
__scs_overlays_trampoline_lowered:
0x8: {  	[smem:$0x3FAA] =	sst s0  }
0x9: {  	[smem:$0x3FAB] =	sst s1  }
0xa: {  	[smem:$0x3FAC] =	sst s2  }
0xb: {  	[smem:$0x3FAD] =	sst s3  }
0xc: {  	[smem:$0x3FAE] =	sst s4  }
0xd: {  	[smem:$0x3FAF] =	sst s5  }
0xe: {  	[smem:$0x3FB0] =	sst s6  }
0xf: {  	[smem:$0x3FB1] =	sst s7  }
0x10: {  	[smem:$0x3FB2] =	sst s8  }
0x11: {  	[smem:$0x3FB3] =	sst s9;
	s0 =	simm.s32 @!p0 $0x0  }
0x12: {  	s1 =	sld [smem:$0x3F99];
	s0 =	simm.s32 @p0 $0x1  }
0x13: {  	[smem:$0x3FB4] =	sst s0;
	s0 =	simm.s32 @!p1 $0x0  }
0x14: {  	s2 =	sld [smem:$0x3F98];
	s0 =	simm.s32 @p1 $0x1  }
0x15: {  	[smem:$0x3FB5] =	sst s0;
	s0 =	simm.s32 @!p2 $0x0  }
0x16: {  	s3 =	sld [smem:$0x3FDB];
	s0 =	simm.s32 @p2 $0x1  }
0x17: {  	s4 =	simm.s32 $0x1BF5;
	[smem:$0x3FB7] =	sst s0  }
0x18: {  	s0 =	sld [smem:$0x3F9A];
	_ =	swait.ge [sflag:s4], $0x0  }
0x19: {  	s7 =	sld [smem:$0x3F9B]  }
0x1a: {  	s8 =	sadd.s32 $0xFFFFE003, lr  }
0x1b: {  	s9 =	sadd.s32 $0xFFFFFEF7, lr;
	s5 =	simm.s32 $0xFFFFFFFF;
	p2 =	slt.u32 s8, $0xFFFFF086  }
0x1c: {  	p1 =	slt.u32 s9, $0xF7A;
	s5 =	simm.s32 @!p2 $0x0  }
0x1d: {  	s5 =	simm.s32 @p1 $0x1;
	p0 =	seq.s32 s7, s2  }
0x1e: {  	s7 =	smul.u32 @!p0 $0xF7A, s2;
	p2 =	seq.s32 @!p0 s5, $0x0  }
0x1f: {  	s9 =	smul.u32 $0xF7A, s1;
	s8 =	simm.s32 @!p0 $0x1BF5;
	p2 =	por !p2, p0  }
0x20: {  	[sflag:s8] =	ssyncset.s32 @!p0 $0xFFFFF086;
	s6 =	sadd.s32 @!p0 s3, s7;
	s7 =	simm.s32 @!p0 $0x108  }
0x21: {  	s3 =	sadd.s32 s3, s9;
	s6 =	sadd.s32 @!p0 $0x88, s6;
	s7 =	simm.s32 @p2 $0x1082  }
0x22: {  	[simem:s7], [sflag:s8] =	dma.local @!p0 [hbm:s6], $0xF7A  }
0x23: {  	s9 =	sor.u32 $0xD0000000, s2;
	s6 =	simm.s32 $0x108;
	_ =	swait.ge @!p0 [sflag:s8], $0x0  }
0x24: {  	s3 =	sadd.s32 $0x88, s3;
	s6 =	simm.s32 @!p1 $0x1082;
	[sflag:s4] =	ssyncset.s32 $0xFFFFF086  }
0x25: {  	[simem:s6], [sflag:s4] =	dma.local [hbm:s3], $0xF7A  }
0x26: {  	[smem:$0x3F9B] =	sst s1;
	(tag) =	ssettag s2;
	_ =	strace s9  }
0x27: {  	s1 =	sld [smem:$0x3FAB]  }
0x28: {  	s2 =	sld [smem:$0x3FAC]  }
0x29: {  	s4 =	sld [smem:$0x3FAE]  }
0x2a: {  	p0 =	seq.s32 s5, $0x0;
	s5 =	sld [smem:$0x3FAF]  }
0x2b: {  	s6 =	sld [smem:$0x3FB0]  }
0x2c: {  	s7 =	sld [smem:$0x3FB1]  }
0x2d: {  	s3 =	simm.s32 $0x108;
	s8 =	sld [smem:$0x3FB2]  }
0x2e: {  	s3 =	simm.s32 @!p0 $0x1082;
	s9 =	sld [smem:$0x3FB3]  }
0x2f: {  	lr =	sadd.s32 s0, s3;
	s0 =	sld [smem:$0x3FAA]  }
0x30: {  	s3 =	sld [smem:$0x3FAD]  }
0x31: {  	[smem:$0x3FB6] =	sst s10  }
0x32: {  	s10 =	sld [smem:$0x3FB4];
	_ =	sdelay $0x3  }
0x33: {  	p0 =	seq.s32 s10, $0x1;
	s10 =	sld [smem:$0x3FB6];
	_ =	sdelay $0x3  }
0x34: {  	[smem:$0x3FB6] =	sst s10  }
0x35: {  	s10 =	sld [smem:$0x3FB5];
	_ =	sdelay $0x3  }
0x36: {  	p1 =	seq.s32 s10, $0x1;
	s10 =	sld [smem:$0x3FB6];
	_ =	sdelay $0x3  }
0x37: {  	[smem:$0x3FB6] =	sst s10  }
0x38: {  	s10 =	sld [smem:$0x3FB7]  }
0x39: {  	_ = 	snop;
	(pc) =	sbr.ind lr, $3  }
0x3a: {  	_ = 	snop  }
0x3b: {  	_ = 	snop  }
0x3c: {  	p2 =	seq.s32 s10, $0x1;
	s10 =	sld [smem:$0x3FB6]  }
0x3d: {  	_ =	shalt  }
0x3e: {  	_ =	shalt  }
0x3f: {  	_ =	shalt  }
0x40: {  	_ =	shalt  }
0x41: {  	_ =	shalt  }
0x42: {  	_ =	shalt  }
0x43: {  	_ =	shalt  }
0x44: {  	_ =	shalt  }
0x45: {  	_ =	shalt  }
0x46: {  	_ =	shalt  }
0x47: {  	_ =	shalt  }
0x48: {  	_ =	shalt  }
0x49: {  	_ =	shalt  }
0x4a: {  	_ =	shalt  }
0x4b: {  	_ =	shalt  }
0x4c: {  	_ =	shalt  }
0x4d: {  	_ =	shalt  }
0x4e: {  	_ =	shalt  }
0x4f: {  	_ =	shalt  }
0x50: {  	_ =	shalt  }
0x51: {  	_ =	shalt  }
0x52: {  	_ =	shalt  }
0x53: {  	_ =	shalt  }
0x54: {  	_ =	shalt  }
0x55: {  	_ =	shalt  }
0x56: {  	_ =	shalt  }
0x57: {  	_ =	shalt  }
0x58: {  	_ =	shalt  }
0x59: {  	_ =	shalt  }
0x5a: {  	_ =	shalt  }
0x5b: {  	_ =	shalt  }
0x5c: {  	_ =	shalt  }
0x5d: {  	_ =	shalt  }
0x5e: {  	_ =	shalt  }
0x5f: {  	_ =	shalt  }
0x60: {  	_ =	shalt  }
0x61: {  	_ =	shalt  }
0x62: {  	_ =	shalt  }
0x63: {  	_ =	shalt  }
0x64: {  	_ =	shalt  }
0x65: {  	_ =	shalt  }
0x66: {  	_ =	shalt  }
0x67: {  	_ =	shalt  }
0x68: {  	_ =	shalt  }
0x69: {  	_ =	shalt  }
0x6a: {  	_ =	shalt  }
0x6b: {  	_ =	shalt  }
0x6c: {  	_ =	shalt  }
0x6d: {  	_ =	shalt  }
0x6e: {  	_ =	shalt  }
0x6f: {  	_ =	shalt  }
0x70: {  	_ =	shalt  }
0x71: {  	_ =	shalt  }
0x72: {  	_ =	shalt  }
0x73: {  	_ =	shalt  }
0x74: {  	_ =	shalt  }
0x75: {  	_ =	shalt  }
0x76: {  	_ =	shalt  }
0x77: {  	_ =	shalt  }
0x78: {  	_ =	shalt  }
0x79: {  	_ =	shalt  }
0x7a: {  	_ =	shalt  }
0x7b: {  	_ =	shalt  }
0x7c: {  	_ =	shalt  }
0x7d: {  	_ =	shalt  }
0x7e: {  	_ =	shalt  }
0x7f: {  	_ =	shalt  }
0x80: {  	_ =	shalt  }
0x81: {  	_ =	shalt  }
0x82: {  	_ =	shalt  }
0x83: {  	_ =	shalt  }
0x84: {  	_ =	shalt  }
0x85: {  	_ =	shalt  }
0x86: {  	_ =	shalt  }
0x87: {  	_ =	shalt  }
.Lfunc_end0:
.L_simem_size_0:
called_computation_lowered:
.L_overlay_start_0:
0x88: {  	s2 =	sld [smem:$0x3FD9]  }
0x89: {  	s3 =	sld [smem:$0x3FFE];
	_ =	sdelay $0x1  }
0x8a: {  	s1 =	srdreg.scid  }
0x8b: {  	s0 =	sand.u32 $0x1, s1  }
0x8c: {  	s14 =	sshll.u32 s0, $0xA;
	s2 =	sadd.s32 s3, s2  }
0x8d: {  	s2 =	sadd.s32 s2, s14  }
0x8e: {  	[smem:$0x3FC2] =	sst s2  }
0x8f: {  	_ = 	snop  }
0x90: {  	s2 =	sld [smem:$0x3FD0];
	_ =	sdelay $0x2  }
0x91: {  	s15 =	simm.s32 $0xA;
	s4 =	simm.s32 $0x10  }
0x92: {  	[smem:s4], [sflag:s15] =	dma.local [hbm:s2], $0x1  }
0x93: {  	_ =	swait.eq [sflag:s15], $0x1  }
0x94: {  	s16 =	sld [smem:$0x10];
	[sflag:s15] =	ssyncset.done $0x0  }
0x95: {  	s17 =	sld [smem:$0x11];
	[sflag:s15] =	ssyncadd.s32 $0xFFFFFFFF  }
0x96: {  	s18 =	sld [smem:$0x12];
	(tm) =	ssettm $0x1  }
0x97: {  	s5 =	sld [smem:$0x3FFB];
	_ =	sdelay $0x3  }
0x98: {  	_ =	strace s5  }
0x99: {  	s5 =	sld [smem:$0x3FFC];
	_ =	sdelay $0x3  }
0x9a: {  	_ =	strace s5  }
0x9b: {  	s5 =	sld [smem:$0x3FFD];
	_ =	sdelay $0x3  }
0x9c: {  	_ =	strace s5  }
0x9d: {  	_ =	strace $0x8FFFFFFF  }
0x9e: {  	s19 =	sld [smem:$0x3FDB];
	_ =	sdelay $0x1  }
0x9f: {  	s6 =	simm.s32 $_scs_section_size  }
0xa0: {  	s7 =	simm.s32 $_size__tile_overlayer_lowered;
	s8 =	simm.s32 $_tile_overlayer_lowered  }
0xa1: {  	s22 =	simm.s32 $0x1BFF;
	s21 =	sshll.u32 s8, $0x1;
	s5 =	sadd.s32 s6, s19  }
0xa2: {  	s9 =	simm.s32 $0x0;
	s20 =	sshll.u32 s7, $0x1;
	s7 =	sadd.s32 s21, s5  }
0xa3: {  	[timem:s9], [sflag:s22] =	dma.local [hbm:s7], s20  }
0xa4: {  	_ =	swait.ge [sflag:s22], s20  }
0xa5: {  	s6 =	ssub.s32 $0x0, s20;
	[sflag:s22] =	ssyncset.done $0x0  }
0xa6: {  	[sflag:s22] =	ssyncadd.s32 s6;
	_ =	sdelay $0x1  }
0xa7: {  	s23 =	simm.s32 $0x1B8B  }
0xa8: {  	_ =	swait.ge [sflag:s23], $0x1  }
0xa9: {  	[sflag:s23] =	ssyncset.done $0x0  }
0xaa: {  	s25 =	simm.s32 $0x1B8E;
	s24 =	sld [smem:$0x3FFE];
	[sflag:s23] =	ssyncadd.s32 $0xFFFFFFFF  }
0xab: {  	s26 =	simm.s32 $execute0_lowered;
	[smem:$0x3FD2] =	sst s25  }
0xac: {  	s7 =	sshll.u32 s26, $0x1;
	_ =	strace $0x80000046;
	[dreg:$0x1] =	wrdreg $0xFFFFFFFF  }
0xad: {  	s28 =	simm.s32 $_size_execute0_lowered;
	s5 =	sadd.s32 s5, s7;
	[dreg:$0x0] =	wrdreg $0x0  }
0xae: {  	s7 =	sshll.u32 s28, $0x1;
	[dreg:$0x2] =	wrdreg s5  }
0xaf: {  	[dreg:$0x3] =	wrdreg s7  }
0xb0: {  	[dreg:$0x4] =	wrdreg $0xC0  }
0xb1: {  	_ =	task [dreg:s9], $0x5FFFF  }
0xb2: {  	[dreg:$0x1] =	wrdreg $0xFFFFFFFF  }
0xb3: {  	[dreg:$0x0] =	wrdreg $0x60  }
0xb4: {  	[dreg:$0x2] =	wrdreg s16  }
0xb5: {  	[dreg:$0x3] =	wrdreg s24  }
0xb6: {  	[dreg:$0x4] =	wrdreg s17  }
0xb7: {  	[dreg:$0x5] =	wrdreg s18  }
0xb8: {  	[dreg:$0x6] =	wrdreg $0xF4800  }
0xb9: {  	[dreg:$0x7] =	wrdreg $0xF6F80  }
0xba: {  	[dreg:$0x8] =	wrdreg $0x9  }
0xbb: {  	_ =	task.clear_ibuf [dreg:s9], $0x9FFFF;
	_ =	strace $0x90000046  }
0xbc: {  	s29 =	simm.s32 $0x9;
	_ =	strace $0x80000048  }
0xbd: {  	_ =	swait.ge [sflag:s29], $0x1  }
0xbe: {  	[sflag:s29] =	ssyncadd.s32 $0xFFFFFFFF  }
0xbf: {  	_ =	strace $0x90000048  }
0xc0: {  	_ =	sfence  }
0xc1: {  	s30 =	sld [smem:$0x0];
	_ =	sdelay $0x2  }
0xc2: {  	s31 =	sshll.u32 s1, $0xD;
	s1 =	sshrl.u32 s1, $0x2  }
0xc3: {  	s3 =	sand.u32 $0x4000, s31;
	s1 =	sadd.s32 s1, s30  }
0xc4: {  	s0 =	sor.u32 s3, s0;
	s1 =	sshll.u32 s1, $0x11  }
0xc5: {  	s0 =	sor.u32 s1, s0  }
0xc6: {  	s0 =	sadd.s32 $0x8F2B, s0  }
0xc7: {  	[sflag:s0] =	ssyncadd.remote.s32 $0x1  }
0xc8: {  	_ =	sfence.sel $0xFFFF  }
0xc9: {  	[dreg:$0x0] =	wrdreg $0xFFFFFFFF;
	(pc) =	sbr.abs _section_cstart, $3  }
0xca: {  	[dreg:$0x1] =	wrdreg $0xFFFFFFFF  }
0xcb: {  	_ =	task.clear_ibuf [dreg:s9], $0x2FFFF;
	_ =	strace $0x9FFFFFFF  }
0xcc: {  	(tm) =	ssettm $0x7FFFFFFF  }
0xcd: {  	_ =	shalt  }
tec
execute0_lowered:
.L_overlay_start_1:
0x0: {  	(tag) =	ssettag $0x1  }
0x1: {  	s0 =	rddreg [dreg:$0x1]  }
0x2: {  	s1 =	srdreg.scid;
	s3 =	rddreg [dreg:$0x3]  }
0x3: {  	s2 =	stileid.u32;
	s11 =	rddreg [dreg:$0x4]  }
0x4: {  	s12 =	rddreg [dreg:$0x5];
	s5 =	simm.s32 $0x0;
	s28 =	simm.s32 $0xCA00  }
0x5: {  	s29 =	simm.s32 $0xA200;
	s30 =	simm.s32 $0x0;
	s20 =	smul.u32 $0x320, s2  }
0x6: {  	s1 =	sand.u32 $0x1, s1;
	s4 =	sshll.u32 s2, $0x1;
	s19 =	smul.u32 $0xC80, s2  }
0x7: {  	[smem:$0x7FF] =	sst s5;
	s9 =	sadd.s32 $0x15400, s0;
	s15 =	smul.u32 $0x500, s1  }
0x8: {  	s10 =	sadd.s32 $0x15200, s0;
	p0 =	sne.s32 s2, $0x0;
	s24 =	smul.u32 $0x640, s1  }
0x9: {  	s2 =	simm.s32 $0x2;
	s4 =	sor.u32 s1, s4;
	s26 =	smul.u32 $0x190, s1  }
0xa: {  	_ =	strace $0x80000047;
	[dreg:$0x7] =	wrdreg s9;
	s6 =	smul.u32 $0x2710, s4  }
0xb: {  	[dreg:$0x8] =	wrdreg s10;
	s16 =	ssub.s32 $0x2, s1;
	s7 =	smul.u32 $0x190, s4  }
0xc: {  	s17 =	sshrl.u32 s16, $0x1;
	p1 =	sgt.u32 s4, $0x18;
	s15 =	sadd.s32 s15, s0  }
0xd: {  	s16 =	ssub.s32 s16, s17;
	s31 =	sadd.s32 s24, s19;
	s19 =	simm.s32 $0x4F00  }
0xe: {  	s24 =	simm.s32 $0x3;
	s6 =	sshrl.u32 s6, $0x3;
	s13 =	sshrl.u32 s7, $0x3  }
0xf: {  	s1 =	sadd.s32 $0x80, s31;
	s8 =	sadd.s32 s6, s0;
	s14 =	sadd.s32 s13, s0  }
0x10: {  	s0 =	sadd.s32 $0x15600, s0;
	s3 =	sadd.s32 s3, s6;
	s10 =	sadd.s32 $0x1800, s8  }
0x11: {  	s9 =	sadd.s32 s0, s6;
	s22 =	sadd.s32 $0xB440, s8;
	s8 =	sadd.s32 $0x180, s7  }
0x12: {  	s7 =	sand.u32 $0x70, s7;
	[dreg:$0x9] =	wrdreg s3;
	s21 =	sadd.s32 $0x29A00, s14  }
0x13: {  	s0 =	sadd.s32 s0, s13;
	s23 =	sadd.s32 $0xA122, s9;
	s17 =	sand.u32 $0x7F80, s8  }
0x14: {  	v0 =	vlaneseq.u32;
	[dreg:$0xb] =	wrdreg s21;
	s25 =	sadd.s32 $0x9C40, s0;
	s0 =	sadd.s32 $0x13D62, s0  }
0x15: {  	s21 =	sshrl.u32 s1, $0x2;
	v1 =	vor.u32 s8, v0;
	s8 =	smov.u32 s12;
	s12 =	simm.s32 $0x4F  }
.Ltmp0:
0x16: {  	s18 =	sor.u32 s7, s17;
	[dreg:$0xc] =	wrdreg s25;
	(pc) =	sbr.rel .LBB2_1-.Ltmp0, $4  }
0x17: {  	s7 =	smov.u32 s11;
	[dreg:$0xd] =	wrdreg s0;
	s11 =	sadd.s32 $0x2A000, s15  }
0x18: {  	s17 =	sadd.s32 $0x2AA00, s15;
	s0 =	sadd.s32 s26, s20;
	s20 =	simm.s32 $0xF200  }
0x19: {  	s25 =	simm.s32 $0xF400;
	s26 =	simm.s32 $0x1;
	[dreg:$0xa] =	wrdreg s18  }
0x1a: {  	v2 =	vimm.f32 $0.0e+00;
	s18 =	smax.u32 s16, $0x1;
	s6 =	sadd.s32 $0x30, s0;
	s0 =	simm.s32 $0x2780  }
.LBB2_9:
0x1b: {  	_ =	sdelay $0x2  }
0x1c: {  	[tilespmem:s15+$0x0] =	vst v16  }
0x1d: {  	v20 =	vpop (erf);
	(erf) = vpow2.f32 v18;
	[tilespmem:v11+s28+$0x0] =	vst.idx.add.f32.msk $0xffff, v12  }
0x1e: {  	v53 =	vor.u32 s16, v0;
	v54 =	vor.u32 s20, v0;
	[tilespmem:s8+$0xFFFFFFE0] =	vst v20;
	(erf) = vpow2.f32 v17  }
0x1f: {  	[tilespmem:s15+$0x10] =	vst v54  }
0x20: {  	[tilespmem:v16+s29+$0x0] =	vst.idx.add.f32.msk $0xffff, v19  }
0x21: {  	v9 =	vmul.f32 v20, v9;
	(erf) = vpow2.f32 v15;
	[tilespmem:s15+$0xFFFFFFE0] =	vst v53  }
0x22: {  	v6 =	vmul.f32 v10, v6;
	[tilespmem:v16+s28+$0x0] =	vst.idx.add.f32.msk $0xffff, v13  }
0x23: {  	[tilespmem:v53+s29+$0x0] =	vst.idx.add.f32.msk $0xffff, v9  }
0x24: {  	[tilespmem:v54+s29+$0x0] =	vst.idx.add.f32.msk $0xffff, v6  }
0x25: {  	(erf) = vpow2.f32 v14;
	[tilespmem:v54+s28+$0x0] =	vst.idx.add.f32.msk $0xffff, v10  }
0x26: {  	s4 =	sadd.s32 $0x40, s31;
	s1 =	sadd.s32 $0x40, s1;
	[tilespmem:v53+s28+$0x0] =	vst.idx.add.f32.msk $0xffff, v20;
	v56 =	vpop (erf)  }
0x27: {  	s7 =	sadd.s32 $0xFFFFFFE0, s4;
	v62 =	vor.u32 s4, v0;
	[tilespmem:s1+$0x10] =	vst v56;
	v57 =	vpop (erf)  }
0x28: {  	v55 =	vor.u32 s7, v0;
	[tilespmem:s1+$0xFFFFFFF0] =	vst v57  }
0x29: {  	[tilespmem:s3+$0x10] =	vst v62  }
0x2a: {  	v4 =	vmul.f32 v56, v4;
	v58 =	vpop (erf);
	[tilespmem:s3+$0xFFFFFFF0] =	vst v55  }
0x2b: {  	v7 =	vmul.f32 v57, v7;
	[tilespmem:s1+$0x0] =	vst v58  }
0x2c: {  	s31 =	sadd.s32 $0xFFFFFFF0, s4;
	[tilespmem:v62+s29+$0x0] =	vst.idx.add.f32.msk $0xffff, v4  }
0x2d: {  	v59 =	vor.u32 s31, v0;
	[tilespmem:v55+s29+$0x0] =	vst.idx.add.f32.msk $0xffff, v7  }
0x2e: {  	s8 =	sadd.s32 $0xFFFFFFD0, s4;
	v60 =	vpop (erf);
	[tilespmem:s3+$0x0] =	vst v59  }
0x2f: {  	v61 =	vor.u32 s8, v0;
	[tilespmem:s1+$0xFFFFFFE0] =	vst v60  }
0x30: {  	v5 =	vmul.f32 v58, v5;
	[tilespmem:v62+s28+$0x0] =	vst.idx.add.f32.msk $0xffff, v56  }
0x31: {  	[tilespmem:v55+s28+$0x0] =	vst.idx.add.f32.msk $0xffff, v57  }
0x32: {  	v8 =	vmul.f32 v60, v8;
	[tilespmem:v59+s29+$0x0] =	vst.idx.add.f32.msk $0xffff, v5  }
0x33: {  	[tilespmem:s3+$0xFFFFFFE0] =	vst v61  }
0x34: {  	[tilespmem:v61+s29+$0x0] =	vst.idx.add.f32.msk $0xffff, v8  }
0x35: {  	[tilespmem:v59+s28+$0x0] =	vst.idx.add.f32.msk $0xffff, v58  }
0x36: {  	[tilespmem:v61+s28+$0x0] =	vst.idx.add.f32.msk $0xffff, v60  }
0x37: {  	s1 =	rddreg [dreg:$0xa]  }
0x38: {  	v4 =	vld [tilespmem:s1+$0x0];
	_ =	sdelay $0x4  }
0x39: {  	v3 =	vmul.f32 v4, v3;
	_ =	sdelay $0x1  }
0x3a: {  	v63 =	vmul.f32 $2.000000030e-01, v3;
	_ =	sdelay $0x1  }
0x3b: {  	v3 =	vmax.f32 v3, v63  }
0x3c: {  	v3 =	vmul.f32 $1.442695020e+00, v3;
	_ =	sdelay $0x1  }
0x3d: {  	(erf) = vpow2.f32 v3;
	_ =	sdelay $0x8  }
0x3e: {  	v3 =	vpop (erf)  }
0x3f: {  	[tilespmem:$0xA180] =	vst v1;
	v4 =	vmul.f32 v3, v4  }
0x40: {  	[tilespmem:$0x9F80] =	vst v3  }
0x41: {  	[tilespmem:v1+s29+$0x0] =	vst.idx.add.f32.msk $0xffff, v4  }
0x42: {  	s15 =	simm.s32 $0x9E00;
	s10 =	rddreg [dreg:$0xb];
	[tilespmem:v1+s28+$0x0] =	vst.idx.add.f32.msk $0xffff, v3  }
0x43: {  	[hbm4b:s10+s5] =	stream.linear.scatter [tilespmem:s15], [sflag:$0x2], $0x190, $0x38;
	[tilespmem:$0xF970] =	vst v63  }
0x44: {  	_ =	swait.ge [sflag:s2], $0x190  }
0x45: {  	s20 =	simm.s32 $0xA000;
	s7 =	smov.u32 s11;
	[sflag:s2] =	ssyncset.done $0x0  }
0x46: {  	s8 =	smov.u32 s12;
	s16 =	rddreg [dreg:$0xc];
	[sflag:s2] =	ssyncadd.s32 $0xFFFFFE70  }
0x47: {  	[hbm4b:s16+s5] =	stream.linear.scatter [tilespmem:s20], [sflag:$0x2], $0x190, $0x38;
	[tilespmem:$0xF970] =	vst v63  }
0x48: {  	s11 =	smov.u32 s18;
	s18 =	smov.u32 s9;
	_ =	swait.ge [sflag:s2], $0x190  }
0x49: {  	s9 =	smov.u32 s0;
	s0 =	simm.s32 $0x2780;
	[sflag:s2] =	ssyncset.done $0x0  }
0x4a: {  	s12 =	simm.s32 $0x4F;
	s31 =	rddreg [dreg:$0xd];
	[sflag:s2] =	ssyncadd.s32 $0xFFFFFE70  }
0x4b: {  	[hbm4b:s31+s5] =	stream.linear.scatter [tilespmem:s20], [sflag:$0x2], $0x190, $0x38;
	[tilespmem:$0xF970] =	vst v63  }
0x4c: {  	s10 =	smov.u32 s22;
	s22 =	smov.u32 s23;
	_ =	swait.ge [sflag:s2], $0x190  }
0x4d: {  	s23 =	smov.u32 s17;
	s17 =	smov.u32 s19;
	[sflag:s2] =	ssyncset.done $0x0  }
0x4e: {  	s19 =	simm.s32 $0x4F00;
	s20 =	simm.s32 $0xF200;
	[sflag:s2] =	ssyncadd.s32 $0xFFFFFE70  }
.LBB2_10:
0x4f: {  	_ =	swait.ge [sflag:s26], $0x80  }
0x50: {  	[sflag:s26] =	ssyncset.done $0x0  }
0x51: {  	[sflag:s26] =	ssyncadd.s32 $0xFFFFFF80  }
0x52: {  	[bflag:$0x0] =	sbarrier.arrive $0xFFFF  }
0x53: {  	[spmem:s7] =	stream.indirect.scatter.add.f32 [tilespmem:s29], [sflag:$0x3], $0x80, s25, s12, $0xb8;
	[tilespmem:$0xF970] =	vst v63  }
0x54: {  	_ =	swait.ge [sflag:s24], $0x2780  }
0x55: {  	[sflag:s24] =	ssyncset.done $0x0  }
0x56: {  	[sflag:s24] =	ssyncadd.s32 $0xFFFFD880  }
0x57: {  	[spmem:s8] =	stream.indirect.scatter.add.f32 [tilespmem:s28], [sflag:$0x3], $0x80, s25, s12, $0xb8;
	[tilespmem:$0xF970] =	vst v63  }
0x58: {  	_ =	swait.ge [sflag:s24], $0x2780  }
0x59: {  	[sflag:s24] =	ssyncset.done $0x0  }
0x5a: {  	[sflag:s24] =	ssyncadd.s32 $0xFFFFD880  }
0x5b: {  	s1 =	simm.s32 @!p0 $0x1C03;
	s3 =	simm.s32 @!p0 $0x3;
	[bflag:$0x0] =	sbarrier.arrive $0xFFFF  }
0x5c: {  	[hbm:s11], [sflag:s1] =	dma.local @!p0 [spmem:s13], $0x4F0  }
0x5d: {  	_ =	swait.ge @!p0 [sflag:s3], $0x4F0  }
0x5e: {  	[sflag:s3] =	ssyncset.done @!p0 $0x0  }
0x5f: {  	[sflag:s3] =	ssyncadd.s32 @!p0 $0xFFFFFB10  }
0x60: {  	[hbm:s17], [sflag:s1] =	dma.local @!p0 [spmem:s14], $0x4F0  }
0x61: {  	_ =	swait.ge @!p0 [sflag:s3], $0x4F0  }
0x62: {  	[sflag:s3] =	ssyncset.done @!p0 $0x0  }
0x63: {  	[sflag:s3] =	ssyncadd.s32 @!p0 $0xFFFFFB10  }
0x64: {  	_ =	swait.ge [sflag:s2], $0x2710  }
0x65: {  	[sflag:s2] =	ssyncset.done $0x0  }
0x66: {  	s30 =	sadd.s32 $0x1, s30;
	[sflag:s2] =	ssyncadd.s32 $0xFFFFD8F0  }
0x67: {  	p2 =	sne.s32 s30, s18;
	_ =	swait.ge [sflag:s2], $0x2710  }
.Ltmp1:
0x68: {  	[sflag:s2] =	ssyncset.done $0x0;
	(pc) =	sbr.rel @!p2 .LBB2_11-.Ltmp1, $4  }
0x69: {  	[sflag:s2] =	ssyncadd.s32 $0xFFFFD8F0  }
0x6a: {  	_ =	swait.ge [sflag:s2], $0x2710  }
0x6b: {  	[sflag:s2] =	ssyncset.done $0x0  }
0x6c: {  	[sflag:s2] =	ssyncadd.s32 $0xFFFFD8F0  }
.LBB2_1:
0x6d: {  	s13 =	sshrl.u32 @!p0 s7, $0x3  }
0x6e: {  	s1 =	simm.s32 @!p0 $0x1C03;
	s4 =	rddreg [dreg:$0x2];
	s3 =	simm.s32 @!p0 $0x3  }
0x6f: {  	[spmem:s13], [sflag:s1] =	dma.local @!p0 [hbm:s4], $0x4F0  }
0x70: {  	_ =	swait.ge @!p0 [sflag:s3], $0x4F0  }
0x71: {  	[sflag:s3] =	ssyncset.done @!p0 $0x0  }
0x72: {  	s14 =	sshrl.u32 @!p0 s8, $0x3;
	[sflag:s3] =	ssyncadd.s32 @!p0 $0xFFFFFB10  }
0x73: {  	[spmem:s14], [sflag:s1] =	dma.local @!p0 [hbm:s4], $0x4F0  }
0x74: {  	_ =	swait.ge @!p0 [sflag:s3], $0x4F0  }
0x75: {  	[sflag:s3] =	ssyncset.done @!p0 $0x0  }
0x76: {  	[sflag:s3] =	ssyncadd.s32 @!p0 $0xFFFFFB10  }
0x77: {  	s15 =	rddreg [dreg:$0x0]  }
0x78: {  	[tilespmem:s5], [sflag:$0x1] =	stream.linear.gather [hbm4b:s15+s5], $0x2780, $0x38;
	[tilespmem:$0xF970] =	vst v63  }
0x79: {  	_ = 	snop  }
0x7a: {  	[tilespmem:s0], [sflag:$0x1] =	stream.linear.gather [hbm4b:s10+s5], $0x2710, $0x38;
	[tilespmem:$0xF970] =	vst v63  }
0x7b: {  	_ = 	snop  }
0x7c: {  	[tilespmem:s19], [sflag:$0x1] =	stream.linear.gather [hbm4b:s22+s5], $0x2710, $0x38;
	[tilespmem:$0xF970] =	vst v63  }
0x7d: {  	s1 =	simm.s32 $0xFFFFFFF8;
	s16 =	rddreg [dreg:$0x7]  }
0x7e: {  	[tilespmem:s20], [sflag:$0x1] =	stream.linear.gather [hbm4b:s16+s5], $0x180, $0x38;
	[tilespmem:$0xF970] =	vst v63  }
0x7f: {  	s31 =	rddreg [dreg:$0x8];
	s3 =	simm.s32 $0xA400;
	s15 =	simm.s32 $0xCC00  }
0x80: {  	[tilespmem:s25], [sflag:$0x1] =	stream.linear.gather [hbm4b:s31+s5], $0x80, $0x38;
	[tilespmem:$0xF970] =	vst v63  }
.LBB2_2:
0x81: {  	[tilespmem:s3+$0xFFFFFE00] =	vst v2  }
0x82: {  	[tilespmem:s3+$0xFFFFFE80] =	vst v2  }
0x83: {  	[tilespmem:s3+$0xFFFFFF00] =	vst v2  }
0x84: {  	[tilespmem:s3+$0xFFFFFF80] =	vst v2  }
0x85: {  	[tilespmem:s3+$0x0] =	vst v2  }
0x86: {  	[tilespmem:s3+$0x80] =	vst v2  }
0x87: {  	[tilespmem:s3+$0x100] =	vst v2  }
0x88: {  	[tilespmem:s3+$0x180] =	vst v2  }
0x89: {  	[tilespmem:s15+$0xFFFFFE00] =	vst v2  }
0x8a: {  	[tilespmem:s15+$0xFFFFFE80] =	vst v2  }
0x8b: {  	[tilespmem:s15+$0xFFFFFF00] =	vst v2  }
0x8c: {  	[tilespmem:s15+$0xFFFFFF80] =	vst v2  }
0x8d: {  	[tilespmem:s15+$0x0] =	vst v2  }
0x8e: {  	[tilespmem:s15+$0x80] =	vst v2  }
0x8f: {  	[tilespmem:s15+$0x100] =	vst v2  }
0x90: {  	[tilespmem:s15+$0x180] =	vst v2  }
0x91: {  	[tilespmem:s3+$0xFFFFFE10] =	vst v2  }
0x92: {  	[tilespmem:s3+$0xFFFFFE90] =	vst v2  }
0x93: {  	[tilespmem:s3+$0xFFFFFF10] =	vst v2  }
0x94: {  	[tilespmem:s3+$0xFFFFFF90] =	vst v2  }
0x95: {  	[tilespmem:s3+$0x10] =	vst v2  }
0x96: {  	[tilespmem:s3+$0x90] =	vst v2  }
0x97: {  	[tilespmem:s3+$0x110] =	vst v2  }
0x98: {  	[tilespmem:s3+$0x190] =	vst v2  }
0x99: {  	[tilespmem:s15+$0xFFFFFE10] =	vst v2  }
0x9a: {  	[tilespmem:s15+$0xFFFFFE90] =	vst v2  }
0x9b: {  	[tilespmem:s15+$0xFFFFFF10] =	vst v2  }
0x9c: {  	[tilespmem:s15+$0xFFFFFF90] =	vst v2  }
0x9d: {  	[tilespmem:s15+$0x10] =	vst v2  }
0x9e: {  	[tilespmem:s15+$0x90] =	vst v2  }
0x9f: {  	[tilespmem:s15+$0x110] =	vst v2  }
0xa0: {  	[tilespmem:s15+$0x190] =	vst v2  }
0xa1: {  	[tilespmem:s3+$0xFFFFFE20] =	vst v2  }
0xa2: {  	[tilespmem:s3+$0xFFFFFEA0] =	vst v2  }
0xa3: {  	[tilespmem:s3+$0xFFFFFF20] =	vst v2  }
0xa4: {  	[tilespmem:s3+$0xFFFFFFA0] =	vst v2  }
0xa5: {  	[tilespmem:s3+$0x20] =	vst v2  }
0xa6: {  	[tilespmem:s3+$0xA0] =	vst v2  }
0xa7: {  	[tilespmem:s3+$0x120] =	vst v2  }
0xa8: {  	[tilespmem:s3+$0x1A0] =	vst v2  }
0xa9: {  	[tilespmem:s15+$0xFFFFFE20] =	vst v2  }
0xaa: {  	[tilespmem:s15+$0xFFFFFEA0] =	vst v2  }
0xab: {  	[tilespmem:s15+$0xFFFFFF20] =	vst v2  }
0xac: {  	[tilespmem:s15+$0xFFFFFFA0] =	vst v2  }
0xad: {  	[tilespmem:s15+$0x20] =	vst v2  }
0xae: {  	[tilespmem:s15+$0xA0] =	vst v2  }
0xaf: {  	[tilespmem:s15+$0x120] =	vst v2  }
0xb0: {  	[tilespmem:s15+$0x1A0] =	vst v2  }
0xb1: {  	[tilespmem:s3+$0xFFFFFE30] =	vst v2  }
0xb2: {  	[tilespmem:s3+$0xFFFFFEB0] =	vst v2  }
0xb3: {  	[tilespmem:s3+$0xFFFFFF30] =	vst v2  }
0xb4: {  	[tilespmem:s3+$0xFFFFFFB0] =	vst v2  }
0xb5: {  	[tilespmem:s3+$0x30] =	vst v2  }
0xb6: {  	[tilespmem:s3+$0xB0] =	vst v2  }
0xb7: {  	[tilespmem:s3+$0x130] =	vst v2  }
0xb8: {  	[tilespmem:s3+$0x1B0] =	vst v2  }
0xb9: {  	[tilespmem:s15+$0xFFFFFE30] =	vst v2  }
0xba: {  	[tilespmem:s15+$0xFFFFFEB0] =	vst v2  }
0xbb: {  	[tilespmem:s15+$0xFFFFFF30] =	vst v2  }
0xbc: {  	[tilespmem:s15+$0xFFFFFFB0] =	vst v2  }
0xbd: {  	[tilespmem:s15+$0x30] =	vst v2  }
0xbe: {  	[tilespmem:s15+$0xB0] =	vst v2  }
0xbf: {  	[tilespmem:s15+$0x130] =	vst v2  }
0xc0: {  	[tilespmem:s15+$0x1B0] =	vst v2  }
0xc1: {  	[tilespmem:s3+$0xFFFFFE40] =	vst v2  }
0xc2: {  	[tilespmem:s3+$0xFFFFFEC0] =	vst v2  }
0xc3: {  	[tilespmem:s3+$0xFFFFFF40] =	vst v2  }
0xc4: {  	[tilespmem:s3+$0xFFFFFFC0] =	vst v2  }
0xc5: {  	[tilespmem:s3+$0x40] =	vst v2  }
0xc6: {  	[tilespmem:s3+$0xC0] =	vst v2  }
0xc7: {  	[tilespmem:s3+$0x140] =	vst v2  }
0xc8: {  	[tilespmem:s3+$0x1C0] =	vst v2  }
0xc9: {  	[tilespmem:s15+$0xFFFFFE40] =	vst v2  }
0xca: {  	[tilespmem:s15+$0xFFFFFEC0] =	vst v2  }
0xcb: {  	[tilespmem:s15+$0xFFFFFF40] =	vst v2  }
0xcc: {  	[tilespmem:s15+$0xFFFFFFC0] =	vst v2  }
0xcd: {  	[tilespmem:s15+$0x40] =	vst v2  }
0xce: {  	[tilespmem:s15+$0xC0] =	vst v2  }
0xcf: {  	[tilespmem:s15+$0x140] =	vst v2  }
0xd0: {  	[tilespmem:s15+$0x1C0] =	vst v2  }
0xd1: {  	[tilespmem:s3+$0xFFFFFE50] =	vst v2  }
0xd2: {  	[tilespmem:s3+$0xFFFFFED0] =	vst v2  }
0xd3: {  	[tilespmem:s3+$0xFFFFFF50] =	vst v2  }
0xd4: {  	[tilespmem:s3+$0xFFFFFFD0] =	vst v2  }
0xd5: {  	[tilespmem:s3+$0x50] =	vst v2  }
0xd6: {  	[tilespmem:s3+$0xD0] =	vst v2  }
0xd7: {  	[tilespmem:s3+$0x150] =	vst v2  }
0xd8: {  	[tilespmem:s3+$0x1D0] =	vst v2  }
0xd9: {  	[tilespmem:s15+$0xFFFFFE50] =	vst v2  }
0xda: {  	[tilespmem:s15+$0xFFFFFED0] =	vst v2  }
0xdb: {  	[tilespmem:s15+$0xFFFFFF50] =	vst v2  }
0xdc: {  	[tilespmem:s15+$0xFFFFFFD0] =	vst v2  }
0xdd: {  	[tilespmem:s15+$0x50] =	vst v2  }
0xde: {  	[tilespmem:s15+$0xD0] =	vst v2  }
0xdf: {  	[tilespmem:s15+$0x150] =	vst v2  }
0xe0: {  	[tilespmem:s15+$0x1D0] =	vst v2  }
0xe1: {  	[tilespmem:s3+$0xFFFFFE60] =	vst v2  }
0xe2: {  	[tilespmem:s3+$0xFFFFFEE0] =	vst v2  }
0xe3: {  	[tilespmem:s3+$0xFFFFFF60] =	vst v2  }
0xe4: {  	[tilespmem:s3+$0xFFFFFFE0] =	vst v2  }
0xe5: {  	[tilespmem:s3+$0x60] =	vst v2  }
0xe6: {  	[tilespmem:s3+$0xE0] =	vst v2  }
0xe7: {  	[tilespmem:s3+$0x160] =	vst v2  }
0xe8: {  	[tilespmem:s3+$0x1E0] =	vst v2  }
0xe9: {  	[tilespmem:s15+$0xFFFFFE60] =	vst v2  }
0xea: {  	[tilespmem:s15+$0xFFFFFEE0] =	vst v2  }
0xeb: {  	[tilespmem:s15+$0xFFFFFF60] =	vst v2  }
0xec: {  	[tilespmem:s15+$0xFFFFFFE0] =	vst v2  }
0xed: {  	[tilespmem:s15+$0x60] =	vst v2  }
0xee: {  	[tilespmem:s15+$0xE0] =	vst v2  }
0xef: {  	[tilespmem:s15+$0x160] =	vst v2  }
0xf0: {  	[tilespmem:s15+$0x1E0] =	vst v2  }
0xf1: {  	[tilespmem:s3+$0xFFFFFE70] =	vst v2  }
0xf2: {  	[tilespmem:s3+$0xFFFFFEF0] =	vst v2  }
0xf3: {  	[tilespmem:s3+$0xFFFFFF70] =	vst v2  }
0xf4: {  	[tilespmem:s3+$0xFFFFFFF0] =	vst v2  }
0xf5: {  	[tilespmem:s3+$0x70] =	vst v2  }
0xf6: {  	[tilespmem:s3+$0xF0] =	vst v2  }
0xf7: {  	[tilespmem:s3+$0x170] =	vst v2  }
0xf8: {  	[tilespmem:s3+$0x1F0] =	vst v2  }
0xf9: {  	[tilespmem:s15+$0xFFFFFE70] =	vst v2  }
0xfa: {  	s1 =	sadd.s32 $0x8, s1;
	[tilespmem:s15+$0xFFFFFEF0] =	vst v2  }
0xfb: {  	p2 =	slt.u32 s1, $0x40;
	[tilespmem:s15+$0xFFFFFF70] =	vst v2  }
.Ltmp2:
0xfc: {  	[tilespmem:s15+$0xFFFFFFF0] =	vst v2;
	(pc) =	sbr.rel @p2 .LBB2_2-.Ltmp2, $4  }
0xfd: {  	[tilespmem:s15+$0x70] =	vst v2  }
0xfe: {  	[tilespmem:s15+$0xF0] =	vst v2  }
0xff: {  	[tilespmem:s15+$0x170] =	vst v2  }
0x100: {  	s4 =	simm.s32 $0x0;
	s3 =	sadd.s32 $0x400, s3;
	[tilespmem:s15+$0x1F0] =	vst v2;
	s15 =	sadd.s32 $0x400, s15  }
.LBB2_3:
0x101: {  	s1 =	sshra.s32 s4, $0x2  }
0x102: {  	[tilespmem:s1+$0xC600] =	vst v2  }
0x103: {  	[tilespmem:s1+$0xEE00] =	vst v2  }
0x104: {  	[tilespmem:s1+$0xC610] =	vst v2  }
0x105: {  	[tilespmem:s1+$0xEE10] =	vst v2  }
0x106: {  	[tilespmem:s1+$0xC620] =	vst v2  }
0x107: {  	[tilespmem:s1+$0xEE20] =	vst v2  }
0x108: {  	[tilespmem:s1+$0xC630] =	vst v2  }
0x109: {  	[tilespmem:s1+$0xEE30] =	vst v2  }
0x10a: {  	[tilespmem:s1+$0xC640] =	vst v2  }
0x10b: {  	[tilespmem:s1+$0xEE40] =	vst v2  }
0x10c: {  	p2 =	sne.s32 s4, $0xC00;
	[tilespmem:s1+$0xC650] =	vst v2  }
.Ltmp3:
0x10d: {  	[tilespmem:s1+$0xEE50] =	vst v2;
	(pc) =	sbr.rel @p2 .LBB2_3-.Ltmp3, $4  }
0x10e: {  	[tilespmem:s1+$0xC660] =	vst v2  }
0x10f: {  	[tilespmem:s1+$0xEE60] =	vst v2  }
0x110: {  	[tilespmem:s1+$0xC670] =	vst v2  }
0x111: {  	s4 =	sadd.s32 $0x200, s4;
	[tilespmem:s1+$0xEE70] =	vst v2  }
0x112: {  	_ =	swait.ge [sflag:s26], $0x2780  }
0x113: {  	[sflag:s26] =	ssyncset.done $0x0  }
0x114: {  	[sflag:s26] =	ssyncadd.s32 $0xFFFFD880  }
0x115: {  	_ =	swait.ge [sflag:s26], $0x2710  }
0x116: {  	[sflag:s26] =	ssyncset.done $0x0  }
0x117: {  	[sflag:s26] =	ssyncadd.s32 $0xFFFFD8F0  }
0x118: {  	_ =	swait.ge [sflag:s26], $0x2710  }
0x119: {  	[sflag:s26] =	ssyncset.done $0x0  }
0x11a: {  	[sflag:s26] =	ssyncadd.s32 $0xFFFFD8F0  }
0x11b: {  	_ =	swait.ge [sflag:s26], $0x180  }
0x11c: {  	[sflag:s26] =	ssyncset.done $0x0  }
0x11d: {  	[sflag:s26] =	ssyncadd.s32 $0xFFFFFE80  }
0x11e: {  	v3 =	vld [tilespmem:$0xF200]  }
0x11f: {  	v4 =	vld [tilespmem:$0xF280];
	[hbm4b:s9+s5] =	stream.linear.scatter [tilespmem:s0], [sflag:$0x2], $0x2710, $0x38  }
0x120: {  	s1 =	simm.s32 $0x4F40  }
0x121: {  	[hbm4b:s23+s5] =	stream.linear.scatter [tilespmem:s19], [sflag:$0x2], $0x2710, $0x38;
	[tilespmem:$0xF970] =	vst v63  }
0x122: {  	s3 =	simm.s32 $0x27C0;
	v12 =	vld [tilespmem:s1+$0xFFFFFFC0]  }
0x123: {  	v15 =	vld [tilespmem:s3+$0xFFFFFFE0]  }
0x124: {  	v10 =	vld [tilespmem:s1+$0x0]  }
0x125: {  	v14 =	vld [tilespmem:s3+$0x20]  }
0x126: {  	v7 =	vld [tilespmem:s1+$0x30]  }
0x127: {  	v5 =	vld [tilespmem:s1+$0x20]  }
0x128: {  	v19 =	vld [tilespmem:s3+$0x30]  }
0x129: {  	v13 =	vld [tilespmem:s3+$0x10]  }
0x12a: {  	v9 =	vld [tilespmem:s1+$0x10]  }
0x12b: {  	v6 =	vld [tilespmem:s1+$0xFFFFFFF0]  }
0x12c: {  	v16 =	vld [tilespmem:s3+$0xFFFFFFF0]  }
0x12d: {  	v18 =	vld [tilespmem:s3+$0xFFFFFFC0]  }
0x12e: {  	v8 =	vld [tilespmem:s1+$0xFFFFFFD0]  }
0x12f: {  	v11 =	vld [tilespmem:s1+$0xFFFFFFE0]  }
0x130: {  	v23 =	vld [tilespmem:s3+$0x0]  }
0x131: {  	v20 =	vld.idx.msk [tilespmem:v7+s5+$0x0], $0xffff  }
0x132: {  	v21 =	vld.idx.msk [tilespmem:v5+s5+$0x0], $0xffff  }
0x133: {  	v13 =	vld.idx.msk [tilespmem:v13+s5+$0x0], $0xffff  }
0x134: {  	v14 =	vld.idx.msk [tilespmem:v14+s5+$0x0], $0xffff  }
0x135: {  	v22 =	vld.idx.msk [tilespmem:v9+s5+$0x0], $0xffff  }
0x136: {  	v17 =	vld.idx.msk [tilespmem:v16+s5+$0x0], $0xffff  }
0x137: {  	v25 =	vld.idx.msk [tilespmem:v10+s5+$0x0], $0xffff  }
0x138: {  	v26 =	vld.idx.msk [tilespmem:v8+s5+$0x0], $0xffff  }
0x139: {  	v27 =	vld.idx.msk [tilespmem:v6+s5+$0x0], $0xffff;
	v16 =	vmul.f32 v21, v4;
	v24 =	vmul.f32 v14, v3  }
0x13a: {  	v28 =	vld.idx.msk [tilespmem:v12+s5+$0x0], $0xffff  }
0x13b: {  	v21 =	vmul.f32 v20, v4;
	v20 =	vadd.f32 v16, v24;
	v16 =	vld.idx.msk [tilespmem:v18+s5+$0x0], $0xffff  }
0x13c: {  	v29 =	vmul.f32 v17, v3;
	v30 =	vmul.f32 v13, v3  }
0x13d: {  	v15 =	vld.idx.msk [tilespmem:v15+s5+$0x0], $0xffff;
	v31 =	vmul.f32 v22, v4;
	v25 =	vmul.f32 v25, v4  }
0x13e: {  	v27 =	vmul.f32 v27, v4;
	v24 =	vld.idx.msk [tilespmem:v11+s5+$0x0], $0xffff;
	v32 =	vmul.f32 $2.000000030e-01, v20  }
0x13f: {  	v22 =	vmul.f32 v26, v4;
	v18 =	vld.idx.msk [tilespmem:v23+s5+$0x0], $0xffff;
	v23 =	vadd.f32 v31, v30;
	v30 =	vmul.f32 v28, v4  }
0x140: {  	s15 =	simm.s32 $0x76C0;
	s31 =	simm.s32 $0x76C0;
	v26 =	vld [tilespmem:s3+$0xFFFFFFD0];
	v29 =	vadd.f32 v27, v29;
	v20 =	vmax.f32 v20, v32;
	v31 =	vmul.f32 v16, v3  }
0x141: {  	s16 =	simm.s32 $0x0;
	s1 =	simm.s32 $0x2840;
	v19 =	vld.idx.msk [tilespmem:v19+s5+$0x0], $0xffff;
	s3 =	simm.s32 $0x4FC0;
	v27 =	vmul.f32 $2.000000030e-01, v23;
	v28 =	vmul.f32 $1.442695020e+00, v20  }
.LBB2_5:
0x142: {  	v32 =	vld [tilespmem:s3+$0xFFFFFFC0];
	s16 =	sadd.s32 $0x8, s16;
	v20 =	vadd.f32 v30, v31;
	v30 =	vmul.f32 v15, v3;
	v31 =	vmul.f32 $2.000000030e-01, v29;
	s15 =	sadd.s32 $0x80, s15  }
0x143: {  	v24 =	vmul.f32 v24, v4;
	v33 =	vld [tilespmem:s1+$0xFFFFFFE0];
	p2 =	slt.u32 s16, $0x268;
	v23 =	vmax.f32 v23, v27;
	(erf) = vpow2.f32 v28  }
0x144: {  	v27 =	vld [tilespmem:s3+$0x0];
	v28 =	vmul.f32 $2.000000030e-01, v20;
	v29 =	vmax.f32 v29, v31;
	v31 =	vmul.f32 v18, v3  }
0x145: {  	v24 =	vadd.f32 v24, v30;
	v30 =	vmul.f32 $1.442695020e+00, v23;
	v34 =	vld [tilespmem:s1+$0x20];
	v29 =	vmul.f32 $1.442695020e+00, v29  }
0x146: {  	v35 =	vld [tilespmem:s3+$0x30];
	v20 =	vmax.f32 v20, v28;
	v25 =	vadd.f32 v25, v31  }
0x147: {  	v28 =	vmul.f32 $2.000000030e-01, v24;
	v23 =	vld [tilespmem:s3+$0x20];
	(erf) = vpow2.f32 v29  }
0x148: {  	v29 =	vmul.f32 $1.442695020e+00, v20;
	v26 =	vld.idx.msk [tilespmem:v26+s5+$0x0], $0xffff;
	v31 =	vmul.f32 $2.000000030e-01, v25  }
0x149: {  	v24 =	vmax.f32 v24, v28;
	v28 =	vmul.f32 v19, v3;
	v20 =	vld [tilespmem:s1+$0x30]  }
0x14a: {  	v24 =	vmul.f32 $1.442695020e+00, v24;
	v36 =	vld [tilespmem:s1+$0x10];
	v25 =	vmax.f32 v25, v31;
	(erf) = vpow2.f32 v29  }
0x14b: {  	v21 =	vadd.f32 v21, v28;
	v29 =	vld [tilespmem:s3+$0x10];
	v25 =	vmul.f32 $1.442695020e+00, v25  }
0x14c: {  	v28 =	vld [tilespmem:s3+$0xFFFFFFF0];
	(erf) = vpow2.f32 v24;
	v31 =	vpop (erf)  }
0x14d: {  	v37 =	vld [tilespmem:s1+$0xFFFFFFF0];
	[tilespmem:s31+$0x20] =	vst v31;
	v38 =	vmul.f32 v31, v14;
	v14 =	vmul.f32 $2.000000030e-01, v21  }
0x14e: {  	v24 =	vld [tilespmem:s1+$0xFFFFFFC0]  }
0x14f: {  	v39 =	vld.idx.msk [tilespmem:v35+s5+$0x0], $0xffff;
	v14 =	vmax.f32 v21, v14  }
0x150: {  	v40 =	vld.idx.msk [tilespmem:v23+s5+$0x0], $0xffff;
	v14 =	vmul.f32 $1.442695020e+00, v14;
	v21 =	vpop (erf);
	(erf) = vpow2.f32 v25  }
0x151: {  	v25 =	vmul.f32 v26, v3;
	v41 =	vld [tilespmem:s3+$0xFFFFFFD0];
	[tilespmem:s31+$0xFFFFFFF0] =	vst v21;
	(erf) = vpow2.f32 v30  }
0x152: {  	v42 =	vmul.f32 v21, v17;
	v30 =	vld [tilespmem:s3+$0xFFFFFFE0]  }
0x153: {  	v17 =	vadd.f32 v22, v25;
	[tilespmem:v6+s28+$0x0] =	vst.idx.add.f32.msk $0xffff, v21;
	v21 =	vpop (erf);
	(erf) = vpow2.f32 v14  }
0x154: {  	v22 =	vld.idx.msk [tilespmem:v36+s5+$0x0], $0xffff;
	[tilespmem:s31+$0xFFFFFFC0] =	vst v21;
	v16 =	vmul.f32 v21, v16  }
0x155: {  	v25 =	vmul.f32 $2.000000030e-01, v17;
	v14 =	vld.idx.msk [tilespmem:v34+s5+$0x0], $0xffff;
	v34 =	vpop (erf)  }
0x156: {  	v33 =	vld.idx.msk [tilespmem:v33+s5+$0x0], $0xffff;
	[tilespmem:s31+$0xFFFFFFE0] =	vst v34  }
0x157: {  	v17 =	vmax.f32 v17, v25;
	[tilespmem:v12+s28+$0x0] =	vst.idx.add.f32.msk $0xffff, v21  }
0x158: {  	v17 =	vmul.f32 $1.442695020e+00, v17;
	v36 =	vld.idx.msk [tilespmem:v29+s5+$0x0], $0xffff  }
0x159: {  	v43 =	vmul.f32 v34, v15;
	[tilespmem:v12+s29+$0x0] =	vst.idx.add.f32.msk $0xffff, v16;
	v21 =	vpop (erf);
	v12 =	vmov v32  }
0x15a: {  	v16 =	vld.idx.msk [tilespmem:v24+s5+$0x0], $0xffff;
	[tilespmem:s31+$0x0] =	vst v21;
	v18 =	vmul.f32 v21, v18;
	(erf) = vpow2.f32 v17;
	v25 =	vpop (erf)  }
0x15b: {  	v24 =	vld.idx.msk [tilespmem:v30+s5+$0x0], $0xffff;
	[tilespmem:s31+$0x10] =	vst v25;
	v44 =	vmul.f32 v25, v13;
	v13 =	vmov v22  }
0x15c: {  	v15 =	vmov v33;
	v32 =	vld.idx.msk [tilespmem:v32+s5+$0x0], $0xffff;
	v17 =	vpop (erf)  }
0x15d: {  	[tilespmem:v10+s28+$0x0] =	vst.idx.add.f32.msk $0xffff, v21;
	v19 =	vmul.f32 v17, v19  }
0x15e: {  	v22 =	vld.idx.msk [tilespmem:v27+s5+$0x0], $0xffff  }
0x15f: {  	v33 =	vld.idx.msk [tilespmem:v41+s5+$0x0], $0xffff;
	[tilespmem:s31+$0x30] =	vst v17  }
0x160: {  	[tilespmem:v7+s28+$0x0] =	vst.idx.add.f32.msk $0xffff, v17  }
0x161: {  	[tilespmem:v10+s29+$0x0] =	vst.idx.add.f32.msk $0xffff, v18;
	v10 =	vmov v27  }
0x162: {  	v17 =	vld.idx.msk [tilespmem:v37+s5+$0x0], $0xffff  }
0x163: {  	[tilespmem:v9+s28+$0x0] =	vst.idx.add.f32.msk $0xffff, v25;
	v18 =	vpop (erf)  }
0x164: {  	v27 =	vld [tilespmem:s1+$0x0];
	[tilespmem:s31+$0xFFFFFFD0] =	vst v18;
	v26 =	vmul.f32 v18, v26;
	s31 =	smov.u32 s15  }
0x165: {  	[tilespmem:v11+s28+$0x0] =	vst.idx.add.f32.msk $0xffff, v34  }
0x166: {  	v21 =	vmul.f32 v39, v4;
	[tilespmem:v9+s29+$0x0] =	vst.idx.add.f32.msk $0xffff, v44;
	v9 =	vmov v29  }
0x167: {  	[tilespmem:v7+s29+$0x0] =	vst.idx.add.f32.msk $0xffff, v19;
	v7 =	vmov v35  }
0x168: {  	v34 =	vmul.f32 v40, v4;
	v29 =	vmul.f32 v17, v3;
	v19 =	vld.idx.msk [tilespmem:v28+s5+$0x0], $0xffff  }
0x169: {  	v35 =	vmul.f32 v14, v3;
	[tilespmem:v8+s28+$0x0] =	vst.idx.add.f32.msk $0xffff, v18  }
0x16a: {  	v37 =	vmul.f32 v13, v3;
	v25 =	vmul.f32 v22, v4;
	[tilespmem:v11+s29+$0x0] =	vst.idx.add.f32.msk $0xffff, v43;
	v11 =	vmov v30  }
0x16b: {  	v34 =	vadd.f32 v34, v35;
	[tilespmem:v6+s29+$0x0] =	vst.idx.add.f32.msk $0xffff, v42;
	v6 =	vmov v28  }
0x16c: {  	v28 =	vmul.f32 v36, v4;
	[tilespmem:v5+s28+$0x0] =	vst.idx.add.f32.msk $0xffff, v31  }
.Ltmp4:
0x16d: {  	v31 =	vmul.f32 $2.000000030e-01, v34;
	[tilespmem:v5+s29+$0x0] =	vst.idx.add.f32.msk $0xffff, v38;
	v5 =	vmov v23;
	(pc) =	sbr.rel @p2 .LBB2_5-.Ltmp4, $4  }
0x16e: {  	v22 =	vmul.f32 v33, v4;
	v19 =	vmul.f32 v19, v4;
	v23 =	vadd.f32 v28, v37;
	v18 =	vld.idx.msk [tilespmem:v27+s5+$0x0], $0xffff  }
0x16f: {  	v30 =	vmul.f32 v32, v4;
	v27 =	vmax.f32 v34, v31;
	[tilespmem:v8+s29+$0x0] =	vst.idx.add.f32.msk $0xffff, v26;
	v8 =	vmov v41  }
0x170: {  	v31 =	vmul.f32 v16, v3;
	v29 =	vadd.f32 v19, v29;
	v28 =	vmul.f32 $1.442695020e+00, v27;
	v26 =	vld [tilespmem:s1+$0xFFFFFFD0]  }
0x171: {  	s3 =	sadd.s32 $0x80, s3;
	v27 =	vmul.f32 $2.000000030e-01, v23;
	s1 =	sadd.s32 $0x80, s1;
	v19 =	vld.idx.msk [tilespmem:v20+s5+$0x0], $0xffff  }
0x172: {  	v20 =	vmul.f32 $2.000000030e-01, v29  }
0x173: {  	v30 =	vadd.f32 v30, v31;
	v36 =	vmul.f32 v15, v3;
	v24 =	vmul.f32 v24, v4  }
0x174: {  	(erf) = vpow2.f32 v28;
	v38 =	vmul.f32 v18, v3  }
0x175: {  	v20 =	vmax.f32 v29, v20;
	v37 =	vmul.f32 $2.000000030e-01, v30;
	v24 =	vadd.f32 v24, v36  }
0x176: {  	v20 =	vmul.f32 $1.442695020e+00, v20  }
0x177: {  	v25 =	vadd.f32 v25, v38;
	v39 =	vmax.f32 v30, v37;
	v40 =	vmul.f32 $2.000000030e-01, v24  }
0x178: {  	(erf) = vpow2.f32 v20;
	v41 =	vmul.f32 $1.442695020e+00, v39  }
0x179: {  	v42 =	vmul.f32 $2.000000030e-01, v25;
	v24 =	vmax.f32 v24, v40  }
0x17a: {  	v24 =	vmul.f32 $1.442695020e+00, v24;
	(erf) = vpow2.f32 v41  }
0x17b: {  	v26 =	vld.idx.msk [tilespmem:v26+s5+$0x0], $0xffff;
	v43 =	vmul.f32 v19, v3;
	v25 =	vmax.f32 v25, v42  }
0x17c: {  	v45 =	vmul.f32 $1.442695020e+00, v25;
	(erf) = vpow2.f32 v24  }
0x17d: {  	v23 =	vmax.f32 v23, v27;
	v44 =	vadd.f32 v21, v43  }
0x17e: {  	v23 =	vmul.f32 $1.442695020e+00, v23;
	v49 =	vpop (erf);
	(erf) = vpow2.f32 v45  }
0x17f: {  	v46 =	vmul.f32 $2.000000030e-01, v44;
	[tilespmem:s31+$0x20] =	vst v49;
	v62 =	vmul.f32 v49, v14  }
0x180: {  	v47 =	vmul.f32 v26, v3;
	(erf) = vpow2.f32 v23;
	[tilespmem:v5+s28+$0x0] =	vst.idx.add.f32.msk $0xffff, v49  }
0x181: {  	[tilespmem:v5+s29+$0x0] =	vst.idx.add.f32.msk $0xffff, v62;
	v51 =	vpop (erf)  }
0x182: {  	v20 =	vmax.f32 v44, v46;
	v48 =	vadd.f32 v22, v47;
	[tilespmem:s31+$0xFFFFFFF0] =	vst v51  }
0x183: {  	v20 =	vmul.f32 $1.442695020e+00, v20;
	v53 =	vpop (erf);
	[tilespmem:v6+s28+$0x0] =	vst.idx.add.f32.msk $0xffff, v51  }
0x184: {  	v50 =	vmul.f32 $2.000000030e-01, v48;
	[tilespmem:s31+$0xFFFFFFC0] =	vst v53  }
0x185: {  	(erf) = vpow2.f32 v20;
	v16 =	vmul.f32 v53, v16;
	v54 =	vpop (erf);
	[tilespmem:v12+s28+$0x0] =	vst.idx.add.f32.msk $0xffff, v53  }
0x186: {  	v52 =	vmax.f32 v48, v50;
	[tilespmem:s31+$0xFFFFFFE0] =	vst v54  }
0x187: {  	v20 =	vmul.f32 $1.442695020e+00, v52;
	[tilespmem:v12+s29+$0x0] =	vst.idx.add.f32.msk $0xffff, v16;
	v55 =	vpop (erf)  }
0x188: {  	[tilespmem:s31+$0x0] =	vst v55  }
0x189: {  	(erf) = vpow2.f32 v20;
	v56 =	vpop (erf);
	[tilespmem:v11+s28+$0x0] =	vst.idx.add.f32.msk $0xffff, v54  }
0x18a: {  	v61 =	vmul.f32 v54, v15;
	[tilespmem:s31+$0x10] =	vst v56  }
0x18b: {  	v12 =	vmul.f32 v55, v18;
	[tilespmem:v10+s28+$0x0] =	vst.idx.add.f32.msk $0xffff, v55  }
0x18c: {  	[tilespmem:v11+s29+$0x0] =	vst.idx.add.f32.msk $0xffff, v61  }
0x18d: {  	[tilespmem:v10+s29+$0x0] =	vst.idx.add.f32.msk $0xffff, v12  }
0x18e: {  	v59 =	vmul.f32 v56, v13;
	v57 =	vpop (erf);
	[tilespmem:v9+s28+$0x0] =	vst.idx.add.f32.msk $0xffff, v56  }
0x18f: {  	[tilespmem:s31+$0x30] =	vst v57  }
0x190: {  	v60 =	vmul.f32 v57, v19;
	[tilespmem:v9+s29+$0x0] =	vst.idx.add.f32.msk $0xffff, v59  }
0x191: {  	[tilespmem:v7+s28+$0x0] =	vst.idx.add.f32.msk $0xffff, v57  }
0x192: {  	[tilespmem:v7+s29+$0x0] =	vst.idx.add.f32.msk $0xffff, v60;
	v7 =	vmul.f32 v51, v17;
	v58 =	vpop (erf)  }
0x193: {  	[tilespmem:s31+$0xFFFFFFD0] =	vst v58  }
0x194: {  	[tilespmem:v6+s29+$0x0] =	vst.idx.add.f32.msk $0xffff, v7;
	v6 =	vmul.f32 v58, v26  }
0x195: {  	[tilespmem:v8+s28+$0x0] =	vst.idx.add.f32.msk $0xffff, v58  }
0x196: {  	[tilespmem:v8+s29+$0x0] =	vst.idx.add.f32.msk $0xffff, v6  }
0x197: {  	v5 =	vld [tilespmem:$0x4E80]  }
0x198: {  	v6 =	vld [tilespmem:$0x7600];
	_ =	sdelay $0x6  }
0x199: {  	v5 =	vld.idx.msk [tilespmem:v5+s5+$0x0], $0xffff  }
0x19a: {  	v7 =	vld.idx.msk [tilespmem:v6+s5+$0x0], $0xffff;
	_ =	sdelay $0x4  }
0x19b: {  	v63 =	vmul.f32 v5, v3;
	v7 =	vmul.f32 v7, v4;
	_ =	sdelay $0x1  }
0x19c: {  	v7 =	vadd.f32 v7, v63;
	_ =	sdelay $0x1  }
0x19d: {  	v8 =	vmul.f32 $2.000000030e-01, v7;
	_ =	sdelay $0x1  }
0x19e: {  	v7 =	vmax.f32 v7, v8  }
0x19f: {  	v7 =	vmul.f32 $1.442695020e+00, v7;
	_ =	sdelay $0x1  }
0x1a0: {  	(erf) = vpow2.f32 v7;
	_ =	sdelay $0x8  }
.Ltmp5:
0x1a1: {  	v7 =	vpop (erf);
	(pc) =	sbr.rel @p1 .LBB2_10-.Ltmp5, $4  }
0x1a2: {  	[tilespmem:$0x9D80] =	vst v7;
	v5 =	vmul.f32 v7, v5  }
0x1a3: {  	[tilespmem:v6+s28+$0x0] =	vst.idx.add.f32.msk $0xffff, v7  }
0x1a4: {  	s3 =	simm.s32 $0x7680;
	s1 =	rddreg [dreg:$0x9];
	[tilespmem:v6+s29+$0x0] =	vst.idx.add.f32.msk $0xffff, v5  }
0x1a5: {  	[hbm4b:s1+s5] =	stream.linear.scatter [tilespmem:s3], [sflag:$0x2], $0x2710, $0x38;
	[tilespmem:$0xF970] =	vst v63  }
0x1a6: {  	v6 =	vld [tilespmem:s21+$0x10]  }
0x1a7: {  	v13 =	vld [tilespmem:s21+$0xFFFFFFF0];
	_ =	sdelay $0x1  }
0x1a8: {  	v3 =	vadd.f32 v4, v3  }
0x1a9: {  	v19 =	vld [tilespmem:s21+$0x0]  }
0x1aa: {  	v4 =	vmul.f32 v6, v3  }
0x1ab: {  	v5 =	vmul.f32 v13, v3  }
0x1ac: {  	v9 =	vld [tilespmem:s21+$0xFFFFFFE0];
	v7 =	vmul.f32 $2.000000030e-01, v4  }
0x1ad: {  	v8 =	vmul.f32 $2.000000030e-01, v5  }
0x1ae: {  	v10 =	vmul.f32 v19, v3;
	v4 =	vmax.f32 v4, v7  }
0x1af: {  	v5 =	vmax.f32 v5, v8;
	v4 =	vmul.f32 $1.442695020e+00, v4  }
0x1b0: {  	v7 =	vmul.f32 $2.000000030e-01, v10;
	v5 =	vmul.f32 $1.442695020e+00, v5  }
0x1b1: {  	v8 =	vmul.f32 v9, v3;
	(erf) = vpow2.f32 v4  }
0x1b2: {  	s3 =	sadd.s32 $0x40, s21;
	(erf) = vpow2.f32 v5  }
0x1b3: {  	v4 =	vmax.f32 v10, v7;
	v7 =	vld [tilespmem:s3+$0xFFFFFFF0];
	v10 =	vmul.f32 $2.000000030e-01, v8  }
0x1b4: {  	v11 =	vmul.f32 $1.442695020e+00, v4;
	v4 =	vld [tilespmem:s3+$0x10]  }
0x1b5: {  	v5 =	vld [tilespmem:s3+$0x0];
	v10 =	vmax.f32 v8, v10  }
0x1b6: {  	v8 =	vld [tilespmem:s3+$0xFFFFFFE0];
	v10 =	vmul.f32 $1.442695020e+00, v10  }
0x1b7: {  	(erf) = vpow2.f32 v11;
	_ =	sdelay $0x1  }
0x1b8: {  	(erf) = vpow2.f32 v10  }
0x1b9: {  	s1 =	sadd.s32 $0xFFFFFFE0, s6;
	v16 =	vmul.f32 v7, v3;
	v14 =	vmul.f32 v4, v3;
	v10 =	vpop (erf)  }
0x1ba: {  	s0 =	smov.u32 s9;
	v11 =	vor.u32 s1, v0;
	v15 =	vmul.f32 v5, v3;
	v17 =	vmul.f32 v8, v3;
	v12 =	vpop (erf)  }
0x1bb: {  	s9 =	smov.u32 s18;
	s19 =	smov.u32 s17;
	s1 =	simm.s32 $0x9E20;
	v18 =	vmul.f32 $2.000000030e-01, v14;
	v13 =	vmul.f32 v12, v13  }
0x1bc: {  	s18 =	smov.u32 s11;
	s17 =	smov.u32 s23;
	s23 =	smov.u32 s22;
	v20 =	vmul.f32 $2.000000030e-01, v16;
	v21 =	vmul.f32 $2.000000030e-01, v15;
	[tilespmem:s1+$0x10] =	vst v10  }
0x1bd: {  	s22 =	smov.u32 s10;
	s12 =	smov.u32 s8;
	s15 =	simm.s32 $0xA020;
	v22 =	vmul.f32 $2.000000030e-01, v17;
	v14 =	vmax.f32 v14, v18;
	[tilespmem:s1+$0xFFFFFFF0] =	vst v12  }
0x1be: {  	s11 =	smov.u32 s7;
	s4 =	simm.s32 $0x4;
	s16 =	sadd.s32 $0xFFFFFFD0, s6;
	v16 =	vmax.f32 v16, v20;
	v15 =	vmax.f32 v15, v21;
	v18 =	vmul.f32 $1.442695020e+00, v14;
	[tilespmem:s15+$0xFFFFFFF0] =	vst v11  }
0x1bf: {  	s20 =	sadd.s32 $0xFFFFFFF0, s6;
	s31 =	smov.u32 s6;
	s8 =	simm.s32 $0x9E20;
	v14 =	vmax.f32 v17, v22;
	v17 =	vmul.f32 $1.442695020e+00, v16;
	v15 =	vmul.f32 $1.442695020e+00, v15;
	[tilespmem:v11+s29+$0x0] =	vst.idx.add.f32.msk $0xffff, v13;
	v13 =	vpop (erf)  }
0x1c0: {  	s7 =	sadd.s32 $0x40, s3;
	s3 =	simm.s32 $0xA060;
	v16 =	vor.u32 s20, v0;
	s20 =	smov.u32 s6;
	v14 =	vmul.f32 $1.442695020e+00, v14;
	[tilespmem:s1+$0x0] =	vst v13;
	v19 =	vmul.f32 v13, v19  }
.LBB2_8:
0x1c1: {  	v20 =	vld [tilespmem:s7+$0xFFFFFFF0];
	s4 =	sadd.s32 $0x4, s4;
	[tilespmem:s15+$0x0] =	vst v16;
	v21 =	vmul.f32 v10, v6;
	s31 =	sadd.s32 $0x40, s31;
	s1 =	sadd.s32 $0x40, s1;
	v22 =	vpop (erf);
	v6 =	vmov v4  }
0x1c2: {  	v4 =	vld [tilespmem:s7+$0x10];
	p2 =	slt.u32 s4, $0x14;
	(erf) = vpow2.f32 v18;
	[tilespmem:s8+$0xFFFFFFE0] =	vst v22;
	v18 =	vor.u32 s16, v0;
	s16 =	sadd.s32 $0xFFFFFFD0, s31;
	v23 =	vmul.f32 v22, v9;
	v9 =	vmovc v8;
	s8 =	smov.u32 s1  }
0x1c3: {  	(erf) = vpow2.f32 v17;
	[tilespmem:v11+s28+$0x0] =	vst.idx.add.f32.msk $0xffff, v12;
	v12 =	vor.u32 s20, v0;
	s20 =	smov.u32 s31  }
0x1c4: {  	v24 =	vld [tilespmem:s7+$0x0];
	[tilespmem:s15+$0x10] =	vst v12  }
0x1c5: {  	[tilespmem:v16+s29+$0x0] =	vst.idx.add.f32.msk $0xffff, v19  }
0x1c6: {  	v8 =	vld [tilespmem:s7+$0xFFFFFFE0];
	(erf) = vpow2.f32 v15;
	[tilespmem:s15+$0xFFFFFFE0] =	vst v18;
	s15 =	smov.u32 s3  }
0x1c7: {  	[tilespmem:v18+s29+$0x0] =	vst.idx.add.f32.msk $0xffff, v23  }
0x1c8: {  	(erf) = vpow2.f32 v14;
	[tilespmem:v16+s28+$0x0] =	vst.idx.add.f32.msk $0xffff, v13  }
0x1c9: {  	s10 =	sadd.s32 $0xFFFFFFE0, s31;
	v14 =	vmul.f32 v4, v3;
	v13 =	vmul.f32 v24, v3;
	[tilespmem:v12+s29+$0x0] =	vst.idx.add.f32.msk $0xffff, v21  }
0x1ca: {  	v11 =	vor.u32 s10, v0;
	v15 =	vmul.f32 v20, v3;
	[tilespmem:v12+s28+$0x0] =	vst.idx.add.f32.msk $0xffff, v10  }
0x1cb: {  	v17 =	vmul.f32 $2.000000030e-01, v14;
	v16 =	vmul.f32 v8, v3;
	v10 =	vpop (erf);
	[tilespmem:v18+s28+$0x0] =	vst.idx.add.f32.msk $0xffff, v22  }
.Ltmp6:
0x1cc: {  	v18 =	vmul.f32 $2.000000030e-01, v15;
	v19 =	vmul.f32 $2.000000030e-01, v13;
	[tilespmem:s1+$0x10] =	vst v10;
	v12 =	vpop (erf);
	(pc) =	sbr.rel @p2 .LBB2_8-.Ltmp6, $4  }
0x1cd: {  	v14 =	vmax.f32 v14, v17;
	v21 =	vmul.f32 $2.000000030e-01, v16;
	[tilespmem:s1+$0xFFFFFFF0] =	vst v12;
	v22 =	vmul.f32 v12, v7;
	v7 =	vmovc v20  }
0x1ce: {  	v15 =	vmax.f32 v15, v18;
	v19 =	vmax.f32 v13, v19;
	v18 =	vmul.f32 $1.442695020e+00, v14;
	[tilespmem:s3+$0xFFFFFFF0] =	vst v11  }
0x1cf: {  	s10 =	sadd.s32 $0xFFFFFFF0, s31;
	v17 =	vmul.f32 $1.442695020e+00, v15;
	v15 =	vmul.f32 $1.442695020e+00, v19;
	v14 =	vmax.f32 v16, v21;
	[tilespmem:v11+s29+$0x0] =	vst.idx.add.f32.msk $0xffff, v22;
	v13 =	vpop (erf)  }
0x1d0: {  	s7 =	sadd.s32 $0x40, s7;
	s3 =	sadd.s32 $0x40, s3;
	v16 =	vor.u32 s10, v0;
	v14 =	vmul.f32 $1.442695020e+00, v14;
	[tilespmem:s1+$0x0] =	vst v13;
	v19 =	vmul.f32 v13, v5;
	v5 =	vmovc v24  }
.Ltmp7:
0x1d1: {  	_ = 	snop;
	(pc) =	sbr.rel .LBB2_9-.Ltmp7, $1  }
0x1d2: {  	_ =	sdelay $0x3  }
.LBB2_11:
0x1d3: {  	_ =	sfence.sel $0x180000  }
0x1d4: {  	[bflag:$0x0] =	sbarrier.arrive $0xFFFF  }
0x1d5: {  	_ =	strace $0x90000047  }
0x1d6: {  	[bflag:$0x2] =	sbarrier.arrive $0xFFFF  }
0x1d7: {  	s0 =	rddreg [dreg:$0x6]  }
0x1d8: {  	s0 =	sadd.s32 @!p0 $0x100000, s0  }
0x1d9: {  	[sflag:s0] =	ssyncadd.tile.s32 @!p0 $0x1;
	_ =	shalt  }
.Lfunc_end2:
_tile_overlayer_lowered:
.L_overlay_start_2:
0x1da: {  	(tag) =	ssettag $0x2  }
0x1db: {  	s0 =	rddreg [dreg:$0x0];
	s2 =	stileid.u32  }
0x1dc: {  	s1 =	rddreg [dreg:$0x1];
	p0 =	sne.s32 s2, $0x0  }
0x1dd: {  	s3 =	rddreg [dreg:$0x2];
	[bflag:$0x3] =	sbarrier.arrive $0xFFFF;
	s2 =	simm.s32 @!p0 $0x1C03  }
0x1de: {  	[timem:s3], [sflag:s2] =	dma.local @!p0 [hbm:s0], s1  }
0x1df: {  	s0 =	simm.s32 @!p0 $0x3  }
0x1e0: {  	_ =	swait.ge @!p0 [sflag:s0], s1  }
0x1e1: {  	s1 =	ssub.s32 @!p0 $0x0, s1;
	[sflag:s0] =	ssyncset.done @!p0 $0x0  }
0x1e2: {  	[sflag:s0] =	ssyncadd.s32 @!p0 s1  }
0x1e3: {  	[bflag:$0x3] =	sbarrier.arrive $0xFFFF  }
0x1e4: {  	_ =	shalt  }

// kernel: kernel.8.cloned.1.call-start
scs
__scs_entry_jumppad:
0x0: {  	(pc) =	sbr.rel $0x88, $3  }
0x1: {  	(tag) =	ssettag $0x0;
	lr =	simm.s32 $0x1  }
0x2: {  	[smem:$0x3F9B] =	sst lr;
	_ =	strace $0xD0000000  }
0x3: {  	_ = 	snop  }
0x4: {  	_ = 	snop  }
0x5: {  	_ = 	snop  }
0x6: {  	_ = 	snop  }
0x7: {  	_ = 	snop  }
__scs_overlays_trampoline_lowered:
0x8: {  	[smem:$0x3FAA] =	sst s0  }
0x9: {  	[smem:$0x3FAB] =	sst s1  }
0xa: {  	[smem:$0x3FAC] =	sst s2  }
0xb: {  	[smem:$0x3FAD] =	sst s3  }
0xc: {  	[smem:$0x3FAE] =	sst s4  }
0xd: {  	[smem:$0x3FAF] =	sst s5  }
0xe: {  	[smem:$0x3FB0] =	sst s6  }
0xf: {  	[smem:$0x3FB1] =	sst s7  }
0x10: {  	[smem:$0x3FB2] =	sst s8  }
0x11: {  	[smem:$0x3FB3] =	sst s9;
	s0 =	simm.s32 @!p0 $0x0  }
0x12: {  	s1 =	sld [smem:$0x3F99];
	s0 =	simm.s32 @p0 $0x1  }
0x13: {  	[smem:$0x3FB4] =	sst s0;
	s0 =	simm.s32 @!p1 $0x0  }
0x14: {  	s2 =	sld [smem:$0x3F98];
	s0 =	simm.s32 @p1 $0x1  }
0x15: {  	[smem:$0x3FB5] =	sst s0;
	s0 =	simm.s32 @!p2 $0x0  }
0x16: {  	s3 =	sld [smem:$0x3FDB];
	s0 =	simm.s32 @p2 $0x1  }
0x17: {  	s4 =	simm.s32 $0x1BF5;
	[smem:$0x3FB7] =	sst s0  }
0x18: {  	s0 =	sld [smem:$0x3F9A];
	_ =	swait.ge [sflag:s4], $0x0  }
0x19: {  	s7 =	sld [smem:$0x3F9B]  }
0x1a: {  	s8 =	sadd.s32 $0xFFFFE003, lr  }
0x1b: {  	s9 =	sadd.s32 $0xFFFFFEF7, lr;
	s5 =	simm.s32 $0xFFFFFFFF;
	p2 =	slt.u32 s8, $0xFFFFF086  }
0x1c: {  	p1 =	slt.u32 s9, $0xF7A;
	s5 =	simm.s32 @!p2 $0x0  }
0x1d: {  	s5 =	simm.s32 @p1 $0x1;
	p0 =	seq.s32 s7, s2  }
0x1e: {  	s7 =	smul.u32 @!p0 $0xF7A, s2;
	p2 =	seq.s32 @!p0 s5, $0x0  }
0x1f: {  	s9 =	smul.u32 $0xF7A, s1;
	s8 =	simm.s32 @!p0 $0x1BF5;
	p2 =	por !p2, p0  }
0x20: {  	[sflag:s8] =	ssyncset.s32 @!p0 $0xFFFFF086;
	s6 =	sadd.s32 @!p0 s3, s7;
	s7 =	simm.s32 @!p0 $0x108  }
0x21: {  	s3 =	sadd.s32 s3, s9;
	s6 =	sadd.s32 @!p0 $0x88, s6;
	s7 =	simm.s32 @p2 $0x1082  }
0x22: {  	[simem:s7], [sflag:s8] =	dma.local @!p0 [hbm:s6], $0xF7A  }
0x23: {  	s9 =	sor.u32 $0xD0000000, s2;
	s6 =	simm.s32 $0x108;
	_ =	swait.ge @!p0 [sflag:s8], $0x0  }
0x24: {  	s3 =	sadd.s32 $0x88, s3;
	s6 =	simm.s32 @!p1 $0x1082;
	[sflag:s4] =	ssyncset.s32 $0xFFFFF086  }
0x25: {  	[simem:s6], [sflag:s4] =	dma.local [hbm:s3], $0xF7A  }
0x26: {  	[smem:$0x3F9B] =	sst s1;
	(tag) =	ssettag s2;
	_ =	strace s9  }
0x27: {  	s1 =	sld [smem:$0x3FAB]  }
0x28: {  	s2 =	sld [smem:$0x3FAC]  }
0x29: {  	s4 =	sld [smem:$0x3FAE]  }
0x2a: {  	p0 =	seq.s32 s5, $0x0;
	s5 =	sld [smem:$0x3FAF]  }
0x2b: {  	s6 =	sld [smem:$0x3FB0]  }
0x2c: {  	s7 =	sld [smem:$0x3FB1]  }
0x2d: {  	s3 =	simm.s32 $0x108;
	s8 =	sld [smem:$0x3FB2]  }
0x2e: {  	s3 =	simm.s32 @!p0 $0x1082;
	s9 =	sld [smem:$0x3FB3]  }
0x2f: {  	lr =	sadd.s32 s0, s3;
	s0 =	sld [smem:$0x3FAA]  }
0x30: {  	s3 =	sld [smem:$0x3FAD]  }
0x31: {  	[smem:$0x3FB6] =	sst s10  }
0x32: {  	s10 =	sld [smem:$0x3FB4];
	_ =	sdelay $0x3  }
0x33: {  	p0 =	seq.s32 s10, $0x1;
	s10 =	sld [smem:$0x3FB6];
	_ =	sdelay $0x3  }
0x34: {  	[smem:$0x3FB6] =	sst s10  }
0x35: {  	s10 =	sld [smem:$0x3FB5];
	_ =	sdelay $0x3  }
0x36: {  	p1 =	seq.s32 s10, $0x1;
	s10 =	sld [smem:$0x3FB6];
	_ =	sdelay $0x3  }
0x37: {  	[smem:$0x3FB6] =	sst s10  }
0x38: {  	s10 =	sld [smem:$0x3FB7]  }
0x39: {  	_ = 	snop;
	(pc) =	sbr.ind lr, $3  }
0x3a: {  	_ = 	snop  }
0x3b: {  	_ = 	snop  }
0x3c: {  	p2 =	seq.s32 s10, $0x1;
	s10 =	sld [smem:$0x3FB6]  }
0x3d: {  	_ =	shalt  }
0x3e: {  	_ =	shalt  }
0x3f: {  	_ =	shalt  }
0x40: {  	_ =	shalt  }
0x41: {  	_ =	shalt  }
0x42: {  	_ =	shalt  }
0x43: {  	_ =	shalt  }
0x44: {  	_ =	shalt  }
0x45: {  	_ =	shalt  }
0x46: {  	_ =	shalt  }
0x47: {  	_ =	shalt  }
0x48: {  	_ =	shalt  }
0x49: {  	_ =	shalt  }
0x4a: {  	_ =	shalt  }
0x4b: {  	_ =	shalt  }
0x4c: {  	_ =	shalt  }
0x4d: {  	_ =	shalt  }
0x4e: {  	_ =	shalt  }
0x4f: {  	_ =	shalt  }
0x50: {  	_ =	shalt  }
0x51: {  	_ =	shalt  }
0x52: {  	_ =	shalt  }
0x53: {  	_ =	shalt  }
0x54: {  	_ =	shalt  }
0x55: {  	_ =	shalt  }
0x56: {  	_ =	shalt  }
0x57: {  	_ =	shalt  }
0x58: {  	_ =	shalt  }
0x59: {  	_ =	shalt  }
0x5a: {  	_ =	shalt  }
0x5b: {  	_ =	shalt  }
0x5c: {  	_ =	shalt  }
0x5d: {  	_ =	shalt  }
0x5e: {  	_ =	shalt  }
0x5f: {  	_ =	shalt  }
0x60: {  	_ =	shalt  }
0x61: {  	_ =	shalt  }
0x62: {  	_ =	shalt  }
0x63: {  	_ =	shalt  }
0x64: {  	_ =	shalt  }
0x65: {  	_ =	shalt  }
0x66: {  	_ =	shalt  }
0x67: {  	_ =	shalt  }
0x68: {  	_ =	shalt  }
0x69: {  	_ =	shalt  }
0x6a: {  	_ =	shalt  }
0x6b: {  	_ =	shalt  }
0x6c: {  	_ =	shalt  }
0x6d: {  	_ =	shalt  }
0x6e: {  	_ =	shalt  }
0x6f: {  	_ =	shalt  }
0x70: {  	_ =	shalt  }
0x71: {  	_ =	shalt  }
0x72: {  	_ =	shalt  }
0x73: {  	_ =	shalt  }
0x74: {  	_ =	shalt  }
0x75: {  	_ =	shalt  }
0x76: {  	_ =	shalt  }
0x77: {  	_ =	shalt  }
0x78: {  	_ =	shalt  }
0x79: {  	_ =	shalt  }
0x7a: {  	_ =	shalt  }
0x7b: {  	_ =	shalt  }
0x7c: {  	_ =	shalt  }
0x7d: {  	_ =	shalt  }
0x7e: {  	_ =	shalt  }
0x7f: {  	_ =	shalt  }
0x80: {  	_ =	shalt  }
0x81: {  	_ =	shalt  }
0x82: {  	_ =	shalt  }
0x83: {  	_ =	shalt  }
0x84: {  	_ =	shalt  }
0x85: {  	_ =	shalt  }
0x86: {  	_ =	shalt  }
0x87: {  	_ =	shalt  }
.Lfunc_end0:
.L_simem_size_0:
called_computation.1_lowered:
.L_overlay_start_0:
0x88: {  	s2 =	sld [smem:$0x3FD9]  }
0x89: {  	s3 =	sld [smem:$0x3FFE];
	_ =	sdelay $0x1  }
0x8a: {  	s1 =	srdreg.scid  }
0x8b: {  	s0 =	sand.u32 $0x1, s1  }
0x8c: {  	s14 =	sshll.u32 s0, $0xA;
	s2 =	sadd.s32 s3, s2  }
0x8d: {  	s2 =	sadd.s32 s2, s14  }
0x8e: {  	[smem:$0x3FC2] =	sst s2  }
0x8f: {  	_ = 	snop  }
0x90: {  	s2 =	sld [smem:$0x3FD0];
	_ =	sdelay $0x2  }
0x91: {  	s15 =	simm.s32 $0xA;
	s4 =	simm.s32 $0x10  }
0x92: {  	[smem:s4], [sflag:s15] =	dma.local [hbm:s2], $0x1  }
0x93: {  	_ =	swait.eq [sflag:s15], $0x1  }
0x94: {  	[sflag:s15] =	ssyncset.done $0x0  }
0x95: {  	[sflag:s15] =	ssyncadd.s32 $0xFFFFFFFF  }
0x96: {  	s16 =	sld [smem:$0x12];
	(tm) =	ssettm $0x1  }
0x97: {  	s17 =	sld [smem:$0x3FFB];
	_ =	sdelay $0x3  }
0x98: {  	_ =	strace s17  }
0x99: {  	s3 =	sld [smem:$0x3FFC];
	_ =	sdelay $0x3  }
0x9a: {  	_ =	strace s3  }
0x9b: {  	s3 =	sld [smem:$0x3FFD];
	_ =	sdelay $0x3  }
0x9c: {  	_ =	strace s3  }
0x9d: {  	_ =	strace $0x8FFFFFFF  }
0x9e: {  	s18 =	sld [smem:$0x3FDB];
	_ =	sdelay $0x1  }
0x9f: {  	s19 =	simm.s32 $_scs_section_size  }
0xa0: {  	s5 =	simm.s32 $_size__tile_overlayer_lowered;
	s6 =	simm.s32 $_tile_overlayer_lowered  }
0xa1: {  	s22 =	simm.s32 $0x1BFF;
	s21 =	sshll.u32 s6, $0x1;
	s3 =	sadd.s32 s19, s18  }
0xa2: {  	s7 =	simm.s32 $0x0;
	s20 =	sshll.u32 s5, $0x1;
	s5 =	sadd.s32 s21, s3  }
0xa3: {  	[timem:s7], [sflag:s22] =	dma.local [hbm:s5], s20  }
0xa4: {  	_ =	swait.ge [sflag:s22], s20  }
0xa5: {  	s4 =	ssub.s32 $0x0, s20;
	[sflag:s22] =	ssyncset.done $0x0  }
0xa6: {  	[sflag:s22] =	ssyncadd.s32 s4;
	_ =	sdelay $0x1  }
0xa7: {  	s23 =	simm.s32 $0x1B8B  }
0xa8: {  	_ =	swait.ge [sflag:s23], $0x1  }
0xa9: {  	[sflag:s23] =	ssyncset.done $0x0  }
0xaa: {  	s25 =	simm.s32 $0x1B8E;
	s24 =	sld [smem:$0x3FFE];
	[sflag:s23] =	ssyncadd.s32 $0xFFFFFFFF  }
0xab: {  	s26 =	simm.s32 $execute0_lowered;
	[smem:$0x3FD2] =	sst s25  }
0xac: {  	s5 =	sshll.u32 s26, $0x1;
	_ =	strace $0x80000049;
	[dreg:$0x1] =	wrdreg $0xFFFFFFFF  }
0xad: {  	s28 =	simm.s32 $_size_execute0_lowered;
	s3 =	sadd.s32 s3, s5;
	[dreg:$0x0] =	wrdreg $0x0  }
0xae: {  	s5 =	sshll.u32 s28, $0x1;
	[dreg:$0x2] =	wrdreg s3  }
0xaf: {  	[dreg:$0x3] =	wrdreg s5  }
0xb0: {  	[dreg:$0x4] =	wrdreg $0xC0  }
0xb1: {  	_ =	task [dreg:s7], $0x5FFFF  }
0xb2: {  	[dreg:$0x1] =	wrdreg $0xFFFFFFFF  }
0xb3: {  	[dreg:$0x0] =	wrdreg $0x60  }
0xb4: {  	[dreg:$0x2] =	wrdreg s24  }
0xb5: {  	[dreg:$0x3] =	wrdreg s16  }
0xb6: {  	[dreg:$0x4] =	wrdreg $0x9  }
0xb7: {  	_ =	task.clear_ibuf [dreg:s7], $0x5FFFF;
	_ =	strace $0x90000049  }
0xb8: {  	s29 =	simm.s32 $0x9;
	_ =	strace $0x8000004B  }
0xb9: {  	_ =	swait.ge [sflag:s29], $0x1  }
0xba: {  	[sflag:s29] =	ssyncadd.s32 $0xFFFFFFFF  }
0xbb: {  	_ =	strace $0x9000004B  }
0xbc: {  	_ =	sfence  }
0xbd: {  	s30 =	sld [smem:$0x0];
	_ =	sdelay $0x2  }
0xbe: {  	s31 =	sshll.u32 s1, $0xD;
	s1 =	sshrl.u32 s1, $0x2  }
0xbf: {  	s3 =	sand.u32 $0x4000, s31;
	s1 =	sadd.s32 s1, s30  }
0xc0: {  	s0 =	sor.u32 s3, s0;
	s1 =	sshll.u32 s1, $0x11  }
0xc1: {  	s0 =	sor.u32 s1, s0  }
0xc2: {  	s0 =	sadd.s32 $0x8F2B, s0  }
0xc3: {  	[sflag:s0] =	ssyncadd.remote.s32 $0x1  }
0xc4: {  	_ =	sfence.sel $0xFFFF  }
0xc5: {  	[dreg:$0x0] =	wrdreg $0xFFFFFFFF;
	(pc) =	sbr.abs _section_cstart, $3  }
0xc6: {  	[dreg:$0x1] =	wrdreg $0xFFFFFFFF  }
0xc7: {  	_ =	task.clear_ibuf [dreg:s7], $0x2FFFF;
	_ =	strace $0x9FFFFFFF  }
0xc8: {  	(tm) =	ssettm $0x7FFFFFFF  }
0xc9: {  	_ =	shalt  }
tec
execute0_lowered:
.L_overlay_start_1:
0x0: {  	(tag) =	ssettag $0x1  }
0x1: {  	s0 =	rddreg [dreg:$0x0];
	s1 =	srdreg.scid  }
0x2: {  	s13 =	stileid.u32;
	s9 =	rddreg [dreg:$0x1]  }
0x3: {  	s2 =	simm.s32 $0x0;
	s28 =	simm.s32 $0x5000;
	s29 =	simm.s32 $0x11880  }
0x4: {  	s30 =	simm.s32 $0x0;
	s1 =	sand.u32 $0x1, s1;
	s3 =	sshll.u32 s13, $0x1  }
0x5: {  	[smem:$0x7FF] =	sst s2;
	s4 =	sadd.s32 $0x2A000, s0;
	s18 =	smul.u32 $0xC80, s13  }
0x6: {  	s12 =	sor.u32 s1, s3;
	s8 =	ssub.s32 $0x2, s1;
	s1 =	smul.u32 $0x640, s1  }
0x7: {  	s5 =	sadd.s32 $0x2AA00, s0;
	s6 =	sadd.s32 $0x15400, s0;
	s3 =	smul.u32 $0x190, s12  }
0x8: {  	s16 =	sadd.s32 $0x2BA00, s0;
	_ =	strace $0x8000004A;
	s7 =	smul.u32 $0x2710, s12  }
0x9: {  	s21 =	sshrl.u32 s8, $0x1;
	s22 =	sshll.u32 s12, $0x4;
	p0 =	sgt.u32 s12, $0x18  }
0xa: {  	s17 =	ssub.s32 s8, s21;
	s23 =	sand.u32 $0x70, s22;
	s26 =	sadd.s32 s1, s18  }
0xb: {  	s22 =	simm.s32 $0x2800;
	s1 =	simm.s32 $0x2;
	s15 =	sshrl.u32 s3, $0x3  }
0xc: {  	s11 =	sshrl.u32 s7, $0x3;
	s7 =	sadd.s32 $0x2AF00, s0;
	s19 =	sand.u32 $0x3F80, s3  }
0xd: {  	s14 =	sadd.s32 s15, s0;
	s10 =	sadd.s32 s0, s11;
	s9 =	sadd.s32 s9, s11  }
0xe: {  	s11 =	sadd.s32 s16, s11;
	s24 =	sor.u32 s23, s19;
	s31 =	sadd.s32 s16, s15  }
0xf: {  	s16 =	smax.u32 s17, $0x1;
	s23 =	simm.s32 $0x14400;
	s8 =	sadd.s32 $0xB440, s10  }
.Ltmp0:
0x10: {  	s10 =	sadd.s32 $0x2A500, s0;
	s25 =	sadd.s32 $0x29A00, s14;
	(pc) =	sbr.rel .LBB2_1-.Ltmp0, $4  }
0x11: {  	s13 =	sadd.s32 $0x180, s24;
	s14 =	sadd.s32 $0x2B400, s14;
	s0 =	sadd.s32 $0x80, s26  }
0x12: {  	s15 =	sadd.s32 $0x9C40, s31;
	s24 =	simm.s32 $0xC980;
	s26 =	simm.s32 $0x1  }
0x13: {  	[dreg:$0x3] =	wrdreg s25;
	s0 =	sshrl.u32 s0, $0x2;
	s25 =	simm.s32 $0xF100  }
0x14: {  	s17 =	sadd.s32 $0x5000, s0;
	s18 =	sadd.s32 $0x7780, s0;
	s19 =	sadd.s32 $0x9F80, s0  }
.LBB2_8:
0x15: {  	v12 =	vmul.f32 v12, v7;
	v14 =	vadd.f32 v14, v0  }
0x16: {  	v13 =	vadd.f32 v13, v0  }
0x17: {  	v12 =	vadd.f32 v12, v0;
	[tilespmem:s20+$0xFFFFFFF0] =	vst v14  }
0x18: {  	[tilespmem:s20+$0x0] =	vst v13;
	v56 =	vld [tilespmem:s21+$0xFFFFFFF0]  }
0x19: {  	v4 =	vmul.f32 v11, v4;
	v57 =	vld [tilespmem:s21+$0x0];
	[tilespmem:s20+$0xFFFFFFE0] =	vst v12  }
0x1a: {  	v3 =	vmul.f32 v8, v3;
	s0 =	sadd.s32 $0x40, s22;
	v12 =	vld [tilespmem:s21+$0xFFFFFFE0]  }
0x1b: {  	v1 =	vmul.f32 v9, v1;
	[tilespmem:s0+$0x10] =	vst v4  }
0x1c: {  	v2 =	vmul.f32 v10, v2;
	[tilespmem:s23+$0xFFFFFFE0] =	vst v3  }
0x1d: {  	[tilespmem:s23+$0xFFFFFFF0] =	vst v1;
	v59 =	vmul.f32 v56, v6  }
0x1e: {  	[tilespmem:s23+$0x0] =	vst v2;
	v60 =	vmul.f32 v57, v5  }
0x1f: {  	v58 =	vmul.f32 v12, v7;
	[tilespmem:s0+$0xFFFFFFF0] =	vst v59  }
0x20: {  	[tilespmem:s0+$0x0] =	vst v60  }
0x21: {  	[tilespmem:s0+$0xFFFFFFE0] =	vst v58  }
0x22: {  	v1 =	vld [tilespmem:s13+$0x7780]  }
0x23: {  	v2 =	vld [tilespmem:s13+$0x9F80];
	_ =	sdelay $0x1  }
0x24: {  	v3 =	vld [tilespmem:s3+$0x5180]  }
0x25: {  	v61 =	vld [tilespmem:$0xC900];
	_ =	sdelay $0x1  }
0x26: {  	v1 =	vadd.f32 v2, v1;
	_ =	sdelay $0x1  }
0x27: {  	v1 =	vmul.f32 v1, v3  }
0x28: {  	v63 =	vmul.f32 v61, v3  }
0x29: {  	v62 =	vadd.f32 v1, v0  }
0x2a: {  	[tilespmem:$0x14380] =	vst v63  }
0x2b: {  	s25 =	simm.s32 $0x14000;
	[tilespmem:$0x14180] =	vst v62  }
0x2c: {  	[hbm4b:s14+s2] =	stream.linear.scatter [tilespmem:s25], [sflag:$0x2], $0x190, $0x38;
	[tilespmem:$0x14600] =	vst v63  }
0x2d: {  	_ =	swait.ge [sflag:s1], $0x190  }
0x2e: {  	[sflag:s1] =	ssyncset.done $0x0  }
0x2f: {  	s31 =	simm.s32 $0x14200;
	[sflag:s1] =	ssyncadd.s32 $0xFFFFFE70  }
0x30: {  	[hbm4b:s15+s2] =	stream.linear.scatter [tilespmem:s31], [sflag:$0x2], $0x190, $0x38;
	[tilespmem:$0x14600] =	vst v63  }
0x31: {  	_ =	swait.ge [sflag:s1], $0x190  }
0x32: {  	s22 =	simm.s32 $0x2800;
	s24 =	simm.s32 $0xC980;
	[sflag:s1] =	ssyncset.done $0x0  }
0x33: {  	s23 =	simm.s32 $0x14400;
	s25 =	simm.s32 $0xF100;
	[sflag:s1] =	ssyncadd.s32 $0xFFFFFE70  }
.LBB2_9:
0x34: {  	s30 =	sadd.s32 $0x1, s30  }
0x35: {  	p1 =	sne.s32 s30, s16  }
.Ltmp1:
0x36: {  	_ = 	snop;
	(pc) =	sbr.rel @!p1 .LBB2_10-.Ltmp1, $4  }
0x37: {  	_ = 	snop  }
0x38: {  	_ =	swait.ge [sflag:s1], $0x2710  }
0x39: {  	[sflag:s1] =	ssyncset.done $0x0  }
0x3a: {  	[sflag:s1] =	ssyncadd.s32 $0xFFFFD8F0  }
.LBB2_1:
0x3b: {  	[tilespmem:s2], [sflag:$0x1] =	stream.linear.gather [hbm4b:s5+s2], $0x2780, $0x38;
	[tilespmem:$0x14600] =	vst v63  }
0x3c: {  	_ = 	snop  }
0x3d: {  	[tilespmem:s22], [sflag:$0x1] =	stream.linear.gather [hbm4b:s7+s2], $0x2780, $0x38;
	[tilespmem:$0x14600] =	vst v63  }
0x3e: {  	_ = 	snop  }
0x3f: {  	[tilespmem:s23], [sflag:$0x1] =	stream.linear.gather [hbm4b:s6+s2], $0x180, $0x38;
	[tilespmem:$0x14600] =	vst v63  }
0x40: {  	_ = 	snop  }
0x41: {  	[tilespmem:s24], [sflag:$0x1] =	stream.linear.gather [hbm4b:s8+s2], $0x2710, $0x38;
	[tilespmem:$0x14600] =	vst v63  }
0x42: {  	_ = 	snop  }
0x43: {  	[tilespmem:s25], [sflag:$0x1] =	stream.linear.gather [hbm4b:s9+s2], $0x2710, $0x38;
	[tilespmem:$0x14600] =	vst v63  }
0x44: {  	s0 =	simm.s32 $0x7780  }
0x45: {  	[tilespmem:s0], [sflag:$0x1] =	stream.linear.gather [hbm4b:s4+s2], $0x2780, $0x38;
	[tilespmem:$0x14600] =	vst v63  }
0x46: {  	s12 =	simm.s32 $0x9F80  }
0x47: {  	[tilespmem:s12], [sflag:$0x1] =	stream.linear.gather [hbm4b:s10+s2], $0x2780, $0x38;
	[tilespmem:$0x14600] =	vst v63  }
0x48: {  	_ =	swait.ge [sflag:s26], $0x2780  }
0x49: {  	[sflag:s26] =	ssyncset.done $0x0  }
0x4a: {  	[sflag:s26] =	ssyncadd.s32 $0xFFFFD880  }
0x4b: {  	_ =	swait.ge [sflag:s26], $0x2780  }
0x4c: {  	[sflag:s26] =	ssyncset.done $0x0  }
0x4d: {  	[sflag:s26] =	ssyncadd.s32 $0xFFFFD880  }
0x4e: {  	_ =	swait.ge [sflag:s26], $0x180  }
0x4f: {  	[sflag:s26] =	ssyncset.done $0x0  }
0x50: {  	[sflag:s26] =	ssyncadd.s32 $0xFFFFFE80  }
0x51: {  	s20 =	simm.s32 $0x40;
	v0 =	vld [tilespmem:$0x14500]  }
0x52: {  	s12 =	simm.s32 $0x2840;
	v1 =	vld [tilespmem:s20+$0x30]  }
0x53: {  	v2 =	vld [tilespmem:s12+$0x30]  }
0x54: {  	v3 =	vld [tilespmem:s12+$0xFFFFFFC0]  }
0x55: {  	v4 =	vld [tilespmem:s20+$0xFFFFFFD0]  }
0x56: {  	v5 =	vld [tilespmem:s12+$0xFFFFFFD0]  }
0x57: {  	v6 =	vld [tilespmem:s20+$0xFFFFFFE0]  }
0x58: {  	v7 =	vld [tilespmem:s12+$0xFFFFFFE0]  }
0x59: {  	v8 =	vld [tilespmem:s20+$0xFFFFFFF0]  }
0x5a: {  	v9 =	vld [tilespmem:s12+$0xFFFFFFF0]  }
0x5b: {  	v10 =	vld [tilespmem:s20+$0x0]  }
0x5c: {  	v11 =	vld [tilespmem:s12+$0x0];
	v1 =	vadd.f32 v2, v1  }
0x5d: {  	v12 =	vld [tilespmem:s20+$0x10];
	v4 =	vadd.f32 v5, v4  }
0x5e: {  	v2 =	vld [tilespmem:s12+$0x10];
	v1 =	vadd.f32 $1.000000020e-16, v1  }
0x5f: {  	v5 =	vld [tilespmem:s20+$0x20];
	v6 =	vadd.f32 v7, v6;
	v4 =	vadd.f32 $1.000000020e-16, v4  }
0x60: {  	v7 =	vld [tilespmem:s12+$0x20];
	(erf) = vrcp.f32 v1  }
0x61: {  	s21 =	simm.s32 $0xC0;
	v8 =	vadd.f32 v9, v8;
	v9 =	vld [tilespmem:s20+$0xFFFFFFC0];
	v1 =	vadd.f32 $1.000000020e-16, v6;
	(erf) = vrcp.f32 v4  }
0x62: {  	s31 =	simm.s32 $0x28C0;
	v6 =	vadd.f32 v11, v10;
	v10 =	vld [tilespmem:s21+$0x30]  }
0x63: {  	v4 =	vadd.f32 $1.000000020e-16, v8;
	v8 =	vld [tilespmem:s31+$0x30];
	v2 =	vadd.f32 v2, v12;
	(erf) = vrcp.f32 v1  }
0x64: {  	v13 =	vld [tilespmem:s31+$0x0];
	v6 =	vadd.f32 $1.000000020e-16, v6  }
0x65: {  	v5 =	vadd.f32 v7, v5;
	(erf) = vrcp.f32 v4;
	v4 =	vld [tilespmem:s21+$0xFFFFFFD0];
	v2 =	vadd.f32 $1.000000020e-16, v2  }
0x66: {  	v3 =	vadd.f32 v3, v9;
	(erf) = vrcp.f32 v6;
	v6 =	vld [tilespmem:s31+$0xFFFFFFD0]  }
0x67: {  	v11 =	vld [tilespmem:s21+$0xFFFFFFE0];
	v5 =	vadd.f32 $1.000000020e-16, v5;
	(erf) = vrcp.f32 v2  }
0x68: {  	v3 =	vadd.f32 $1.000000020e-16, v3;
	v2 =	vld [tilespmem:s31+$0xFFFFFFE0];
	v8 =	vadd.f32 v8, v10  }
0x69: {  	v7 =	vld [tilespmem:s21+$0xFFFFFFF0];
	v62 =	vpop (erf);
	(erf) = vrcp.f32 v5  }
0x6a: {  	v9 =	vld [tilespmem:s31+$0xFFFFFFF0];
	v5 =	vadd.f32 $1.000000020e-16, v8;
	v63 =	vpop (erf);
	(erf) = vrcp.f32 v3  }
0x6b: {  	s0 =	simm.s32 $0x5040;
	v1 =	vld [tilespmem:s31+$0xFFFFFFC0];
	v4 =	vadd.f32 v6, v4  }
0x6c: {  	v10 =	vld [tilespmem:s21+$0x0];
	[tilespmem:s0+$0x30] =	vst v62;
	v6 =	vpop (erf);
	(erf) = vrcp.f32 v5  }
0x6d: {  	v8 =	vadd.f32 v2, v11;
	v2 =	vld [tilespmem:s21+$0x10];
	[tilespmem:s0+$0xFFFFFFE0] =	vst v6;
	v6 =	vadd.f32 $1.000000020e-16, v4  }
0x6e: {  	[tilespmem:s0+$0xFFFFFFD0] =	vst v63;
	v3 =	vpop (erf);
	v4 =	vld [tilespmem:s31+$0x10]  }
0x6f: {  	v7 =	vadd.f32 v9, v7;
	v11 =	vadd.f32 $1.000000020e-16, v8;
	[tilespmem:s0+$0xFFFFFFF0] =	vst v3;
	v5 =	vpop (erf);
	v3 =	vld [tilespmem:s21+$0x20];
	(erf) = vrcp.f32 v6  }
0x70: {  	[tilespmem:s0+$0x0] =	vst v5;
	v6 =	vld [tilespmem:s31+$0x20];
	v9 =	vpop (erf)  }
0x71: {  	s20 =	simm.s32 $0x8;
	v7 =	vadd.f32 $1.000000020e-16, v7;
	v8 =	vadd.f32 v13, v10;
	v5 =	vld [tilespmem:s21+$0xFFFFFFC0];
	s21 =	simm.s32 $0x140;
	(erf) = vrcp.f32 v11;
	[tilespmem:s0+$0x10] =	vst v9  }
.LBB2_2:
0x72: {  	v9 =	vld [tilespmem:s21+$0x30];
	s31 =	sadd.s32 $0x80, s31;
	v10 =	vpop (erf)  }
0x73: {  	s20 =	sadd.s32 $0x8, s20;
	v11 =	vld [tilespmem:s31+$0x30];
	v8 =	vadd.f32 $1.000000020e-16, v8;
	v2 =	vadd.f32 v4, v2;
	(erf) = vrcp.f32 v7;
	[tilespmem:s0+$0x20] =	vst v10;
	v4 =	vpop (erf)  }
0x74: {  	p1 =	slt.u32 s20, $0x270;
	v7 =	vld [tilespmem:s31+$0xFFFFFFC0];
	[tilespmem:s0+$0xFFFFFFC0] =	vst v4  }
0x75: {  	s0 =	sadd.s32 $0x80, s0;
	v4 =	vld [tilespmem:s21+$0xFFFFFFD0];
	v2 =	vadd.f32 $1.000000020e-16, v2;
	v3 =	vadd.f32 v6, v3;
	(erf) = vrcp.f32 v8;
	v6 =	vpop (erf)  }
0x76: {  	v8 =	vld [tilespmem:s31+$0xFFFFFFD0];
	v10 =	vadd.f32 v1, v5;
	[tilespmem:s0+$0x30] =	vst v6  }
0x77: {  	v5 =	vld [tilespmem:s21+$0xFFFFFFE0];
	v3 =	vadd.f32 $1.000000020e-16, v3;
	(erf) = vrcp.f32 v2  }
0x78: {  	v2 =	vld [tilespmem:s31+$0xFFFFFFE0];
	v6 =	vadd.f32 v11, v9;
	v9 =	vadd.f32 $1.000000020e-16, v10;
	v1 =	vpop (erf)  }
0x79: {  	v10 =	vld [tilespmem:s21+$0xFFFFFFF0];
	[tilespmem:s0+$0xFFFFFFD0] =	vst v1;
	(erf) = vrcp.f32 v3;
	v1 =	vmov v7  }
0x7a: {  	v3 =	vld [tilespmem:s31+$0xFFFFFFF0];
	v11 =	vadd.f32 $1.000000020e-16, v6;
	(erf) = vrcp.f32 v9;
	v7 =	vpop (erf)  }
0x7b: {  	v4 =	vadd.f32 v8, v4;
	v8 =	vld [tilespmem:s21+$0x0];
	[tilespmem:s0+$0xFFFFFFE0] =	vst v7  }
0x7c: {  	v9 =	vld [tilespmem:s31+$0x0];
	(erf) = vrcp.f32 v11;
	v6 =	vpop (erf)  }
.Ltmp2:
0x7d: {  	v7 =	vadd.f32 $1.000000020e-16, v4;
	v5 =	vadd.f32 v2, v5;
	v2 =	vld [tilespmem:s21+$0x10];
	[tilespmem:s0+$0xFFFFFFF0] =	vst v6;
	(pc) =	sbr.rel @p1 .LBB2_2-.Ltmp2, $4  }
0x7e: {  	v4 =	vld [tilespmem:s31+$0x10];
	v6 =	vpop (erf)  }
0x7f: {  	v11 =	vadd.f32 $1.000000020e-16, v5;
	v10 =	vadd.f32 v3, v10;
	v3 =	vld [tilespmem:s21+$0x20];
	(erf) = vrcp.f32 v7;
	[tilespmem:s0+$0x0] =	vst v6  }
0x80: {  	v6 =	vld [tilespmem:s31+$0x20];
	v12 =	vpop (erf)  }
0x81: {  	v5 =	vld [tilespmem:s21+$0xFFFFFFC0];
	v7 =	vadd.f32 $1.000000020e-16, v10;
	v8 =	vadd.f32 v9, v8;
	s21 =	sadd.s32 $0x80, s21;
	(erf) = vrcp.f32 v11;
	[tilespmem:s0+$0x10] =	vst v12  }
0x82: {  	_ =	sdelay $0x2  }
0x83: {  	v2 =	vadd.f32 v4, v2;
	v4 =	vadd.f32 $1.000000020e-16, v8  }
0x84: {  	v3 =	vadd.f32 v6, v3;
	v1 =	vadd.f32 v1, v5  }
0x85: {  	(erf) = vrcp.f32 v7;
	v2 =	vadd.f32 $1.000000020e-16, v2  }
0x86: {  	(erf) = vrcp.f32 v4;
	v3 =	vadd.f32 $1.000000020e-16, v3;
	v1 =	vadd.f32 $1.000000020e-16, v1  }
0x87: {  	(erf) = vrcp.f32 v2  }
0x88: {  	(erf) = vrcp.f32 v3  }
0x89: {  	v2 =	vpop (erf);
	(erf) = vrcp.f32 v1  }
0x8a: {  	[tilespmem:s0+$0x20] =	vst v2;
	v1 =	vpop (erf)  }
0x8b: {  	s21 =	sadd.s32 $0x80, s0;
	v2 =	vpop (erf);
	[tilespmem:s0+$0xFFFFFFC0] =	vst v1  }
0x8c: {  	v1 =	vpop (erf);
	[tilespmem:s21+$0x30] =	vst v2  }
0x8d: {  	[tilespmem:s21+$0xFFFFFFD0] =	vst v1;
	v1 =	vpop (erf)  }
0x8e: {  	[tilespmem:s21+$0xFFFFFFE0] =	vst v1;
	v1 =	vpop (erf)  }
0x8f: {  	[tilespmem:s21+$0xFFFFFFF0] =	vst v1;
	v1 =	vpop (erf)  }
0x90: {  	[tilespmem:s21+$0x0] =	vst v1;
	v1 =	vpop (erf)  }
0x91: {  	[tilespmem:s21+$0x10] =	vst v1;
	v1 =	vpop (erf)  }
0x92: {  	[tilespmem:s21+$0x20] =	vst v1;
	v1 =	vpop (erf)  }
0x93: {  	[tilespmem:s21+$0xFFFFFFC0] =	vst v1  }
0x94: {  	_ =	swait.ge [sflag:s26], $0x2710  }
0x95: {  	[sflag:s26] =	ssyncset.done $0x0  }
0x96: {  	[sflag:s26] =	ssyncadd.s32 $0xFFFFD8F0  }
0x97: {  	_ =	swait.ge [sflag:s26], $0x2710  }
0x98: {  	[sflag:s26] =	ssyncset.done $0x0  }
0x99: {  	s31 =	simm.s32 $0xC9C0;
	[sflag:s26] =	ssyncadd.s32 $0xFFFFD8F0  }
0x9a: {  	v1 =	vld [tilespmem:s31+$0x30]  }
0x9b: {  	v2 =	vld [tilespmem:s31+$0xFFFFFFD0]  }
0x9c: {  	v3 =	vld [tilespmem:s31+$0xFFFFFFE0]  }
0x9d: {  	v4 =	vld [tilespmem:s31+$0xFFFFFFF0]  }
0x9e: {  	v6 =	vld [tilespmem:s31+$0x0]  }
0x9f: {  	v7 =	vld [tilespmem:s31+$0x10]  }
0xa0: {  	v8 =	vld [tilespmem:s31+$0x20]  }
0xa1: {  	s0 =	simm.s32 $0xF140;
	v9 =	vld [tilespmem:s31+$0xFFFFFFC0]  }
0xa2: {  	v12 =	vld [tilespmem:s0+$0x30]  }
0xa3: {  	v15 =	vld [tilespmem:s0+$0xFFFFFFD0]  }
0xa4: {  	v10 =	vld [tilespmem:s0+$0xFFFFFFE0]  }
0xa5: {  	v11 =	vld.idx.msk [tilespmem:v1+s28+$0x0], $0xffff  }
0xa6: {  	v13 =	vld.idx.msk [tilespmem:v2+s28+$0x0], $0xffff  }
0xa7: {  	v5 =	vld.idx.msk [tilespmem:v3+s28+$0x0], $0xffff  }
0xa8: {  	v4 =	vld.idx.msk [tilespmem:v4+s28+$0x0], $0xffff  }
0xa9: {  	v14 =	vld.idx.msk [tilespmem:v9+s28+$0x0], $0xffff  }
0xaa: {  	v2 =	vld.idx.msk [tilespmem:v8+s28+$0x0], $0xffff  }
0xab: {  	v8 =	vld [tilespmem:s0+$0xFFFFFFC0]  }
0xac: {  	v3 =	vld.idx.msk [tilespmem:v6+s28+$0x0], $0xffff  }
0xad: {  	v1 =	vld.idx.msk [tilespmem:v7+s28+$0x0], $0xffff  }
0xae: {  	v9 =	vld [tilespmem:s0+$0xFFFFFFF0]  }
0xaf: {  	v7 =	vld [tilespmem:s0+$0x0];
	v11 =	vmul.f32 v11, v12  }
0xb0: {  	s20 =	simm.s32 $0x118C0;
	v6 =	vld [tilespmem:s0+$0x10];
	v12 =	vmul.f32 v14, v8  }
0xb1: {  	s12 =	simm.s32 $0xCA40;
	s21 =	simm.s32 $0x0;
	v8 =	vld [tilespmem:s0+$0x20];
	[tilespmem:s20+$0x30] =	vst v11;
	v11 =	vmul.f32 v13, v15  }
.LBB2_4:
0xb2: {  	v13 =	vld [tilespmem:s12+$0x30];
	s21 =	sadd.s32 $0x8, s21;
	[tilespmem:s20+$0xFFFFFFC0] =	vst v12;
	v5 =	vmul.f32 v5, v10  }
0xb3: {  	v10 =	vld [tilespmem:s12+$0xFFFFFFD0];
	p1 =	slt.u32 s21, $0x268;
	[tilespmem:s20+$0xFFFFFFD0] =	vst v11;
	v4 =	vmul.f32 v4, v9  }
0xb4: {  	v9 =	vld [tilespmem:s12+$0xFFFFFFE0];
	[tilespmem:s20+$0xFFFFFFE0] =	vst v5;
	v3 =	vmul.f32 v3, v7  }
0xb5: {  	v7 =	vld [tilespmem:s12+$0xFFFFFFF0];
	[tilespmem:s20+$0xFFFFFFF0] =	vst v4;
	v1 =	vmul.f32 v1, v6  }
0xb6: {  	v6 =	vld [tilespmem:s12+$0x0];
	[tilespmem:s20+$0x0] =	vst v3;
	v2 =	vmul.f32 v2, v8  }
0xb7: {  	v8 =	vld [tilespmem:s12+$0x10];
	[tilespmem:s20+$0x10] =	vst v1  }
0xb8: {  	v11 =	vld [tilespmem:s12+$0x20];
	[tilespmem:s20+$0x20] =	vst v2  }
0xb9: {  	v2 =	vld [tilespmem:s12+$0xFFFFFFC0]  }
0xba: {  	s0 =	sadd.s32 $0x80, s0;
	v12 =	vld.idx.msk [tilespmem:v13+s28+$0x0], $0xffff  }
0xbb: {  	v13 =	vld [tilespmem:s0+$0x30]  }
0xbc: {  	v14 =	vld.idx.msk [tilespmem:v10+s28+$0x0], $0xffff  }
0xbd: {  	v5 =	vld.idx.msk [tilespmem:v9+s28+$0x0], $0xffff  }
0xbe: {  	v4 =	vld.idx.msk [tilespmem:v7+s28+$0x0], $0xffff  }
0xbf: {  	v3 =	vld.idx.msk [tilespmem:v6+s28+$0x0], $0xffff  }
0xc0: {  	v1 =	vld.idx.msk [tilespmem:v8+s28+$0x0], $0xffff;
	v6 =	vmul.f32 v12, v13  }
0xc1: {  	s20 =	sadd.s32 $0x80, s20;
	v8 =	vld.idx.msk [tilespmem:v2+s28+$0x0], $0xffff  }
0xc2: {  	v2 =	vld.idx.msk [tilespmem:v11+s28+$0x0], $0xffff;
	[tilespmem:s20+$0x30] =	vst v6  }
0xc3: {  	v6 =	vld [tilespmem:s0+$0xFFFFFFC0]  }
0xc4: {  	v11 =	vld [tilespmem:s0+$0xFFFFFFD0]  }
.Ltmp3:
0xc5: {  	v10 =	vld [tilespmem:s0+$0xFFFFFFE0];
	(pc) =	sbr.rel @p1 .LBB2_4-.Ltmp3, $4  }
0xc6: {  	v9 =	vld [tilespmem:s0+$0xFFFFFFF0]  }
0xc7: {  	v7 =	vld [tilespmem:s0+$0x0]  }
0xc8: {  	v12 =	vmul.f32 v8, v6;
	v6 =	vld [tilespmem:s0+$0x10]  }
0xc9: {  	s12 =	sadd.s32 $0x80, s12;
	v11 =	vmul.f32 v14, v11;
	v8 =	vld [tilespmem:s0+$0x20]  }
0xca: {  	[tilespmem:s20+$0xFFFFFFC0] =	vst v12;
	v5 =	vmul.f32 v5, v10  }
0xcb: {  	[tilespmem:s20+$0xFFFFFFD0] =	vst v11;
	v4 =	vmul.f32 v4, v9  }
0xcc: {  	[tilespmem:s20+$0xFFFFFFE0] =	vst v5;
	v3 =	vmul.f32 v3, v7  }
0xcd: {  	[tilespmem:s20+$0xFFFFFFF0] =	vst v4;
	v1 =	vmul.f32 v1, v6  }
0xce: {  	[tilespmem:s20+$0x0] =	vst v3;
	v2 =	vmul.f32 v2, v8  }
0xcf: {  	[tilespmem:s20+$0x10] =	vst v1  }
0xd0: {  	[tilespmem:s20+$0x20] =	vst v2  }
0xd1: {  	v1 =	vld [tilespmem:$0xF080];
	_ =	sdelay $0x6  }
0xd2: {  	v2 =	vld [tilespmem:$0x11800]  }
0xd3: {  	v1 =	vld.idx.msk [tilespmem:v1+s28+$0x0], $0xffff;
	_ =	sdelay $0x4  }
0xd4: {  	v1 =	vmul.f32 v1, v2;
	_ =	sdelay $0x1  }
0xd5: {  	[tilespmem:$0x13F80] =	vst v1  }
0xd6: {  	[hbm4b:s11+s2] =	stream.linear.scatter [tilespmem:s29], [sflag:$0x2], $0x2710, $0x38;
	[tilespmem:$0x14600] =	vst v63  }
0xd7: {  	_ =	swait.ge [sflag:s26], $0x2780  }
.Ltmp4:
0xd8: {  	[sflag:s26] =	ssyncset.done $0x0;
	(pc) =	sbr.rel @p0 .LBB2_9-.Ltmp4, $4  }
0xd9: {  	[sflag:s26] =	ssyncadd.s32 $0xFFFFD880  }
0xda: {  	_ =	swait.ge [sflag:s26], $0x2780  }
0xdb: {  	[sflag:s26] =	ssyncset.done $0x0  }
0xdc: {  	[sflag:s26] =	ssyncadd.s32 $0xFFFFD880  }
0xdd: {  	s0 =	rddreg [dreg:$0x3];
	s12 =	simm.s32 $0xC780  }
0xde: {  	[tilespmem:s12], [sflag:$0x1] =	stream.linear.gather [hbm4b:s0+s2], $0x190, $0x38;
	[tilespmem:$0x14600] =	vst v63  }
0xdf: {  	_ =	swait.ge [sflag:s26], $0x190  }
0xe0: {  	[sflag:s26] =	ssyncset.done $0x0  }
0xe1: {  	[sflag:s26] =	ssyncadd.s32 $0xFFFFFE70  }
0xe2: {  	v1 =	vld [tilespmem:s18+$0x10]  }
0xe3: {  	v2 =	vld [tilespmem:s19+$0x10]  }
0xe4: {  	v9 =	vld [tilespmem:s17+$0x10]  }
0xe5: {  	v5 =	vld [tilespmem:s18+$0xFFFFFFE0]  }
0xe6: {  	v6 =	vld [tilespmem:s19+$0xFFFFFFE0]  }
0xe7: {  	v7 =	vld [tilespmem:s18+$0xFFFFFFF0]  }
0xe8: {  	v8 =	vld [tilespmem:s19+$0xFFFFFFF0]  }
0xe9: {  	v10 =	vld [tilespmem:s18+$0x0]  }
0xea: {  	v11 =	vld [tilespmem:s19+$0x0]  }
0xeb: {  	s25 =	sadd.s32 $0x40, s18;
	v3 =	vld [tilespmem:s17+$0xFFFFFFE0]  }
0xec: {  	s0 =	sadd.s32 $0x40, s19;
	v13 =	vld [tilespmem:s25+$0x10];
	v1 =	vadd.f32 v2, v1  }
0xed: {  	v14 =	vld [tilespmem:s0+$0x10]  }
0xee: {  	v15 =	vld [tilespmem:s25+$0xFFFFFFE0];
	v2 =	vmul.f32 v1, v9  }
0xef: {  	v16 =	vld [tilespmem:s0+$0xFFFFFFE0]  }
0xf0: {  	v17 =	vld [tilespmem:s25+$0xFFFFFFF0];
	v4 =	vadd.f32 v2, v0  }
0xf1: {  	s31 =	sadd.s32 $0x40, s17;
	s12 =	simm.s32 $0x14020;
	v1 =	vld [tilespmem:s17+$0xFFFFFFF0]  }
0xf2: {  	[tilespmem:s12+$0x10] =	vst v4;
	v4 =	vld [tilespmem:s31+$0x10]  }
0xf3: {  	v5 =	vadd.f32 v6, v5;
	v2 =	vld [tilespmem:s17+$0x0]  }
0xf4: {  	v18 =	vld [tilespmem:s0+$0xFFFFFFF0];
	v7 =	vadd.f32 v8, v7  }
0xf5: {  	s23 =	simm.s32 $0xC7A0;
	v6 =	vadd.f32 v14, v13;
	v13 =	vld [tilespmem:s25+$0x0];
	v5 =	vmul.f32 v5, v3  }
0xf6: {  	v8 =	vadd.f32 v11, v10;
	v12 =	vld [tilespmem:s23+$0x10];
	v7 =	vmul.f32 v7, v1  }
0xf7: {  	v10 =	vld [tilespmem:s0+$0x0];
	v14 =	vadd.f32 v5, v0;
	v11 =	vmul.f32 v6, v4  }
0xf8: {  	v8 =	vmul.f32 v8, v2;
	v19 =	vadd.f32 v7, v0;
	v6 =	vld [tilespmem:s31+$0xFFFFFFF0]  }
0xf9: {  	v5 =	vld [tilespmem:s31+$0x0];
	[tilespmem:s12+$0xFFFFFFE0] =	vst v14;
	v11 =	vadd.f32 v11, v0  }
0xfa: {  	s20 =	simm.s32 $0x14060;
	v7 =	vld [tilespmem:s31+$0xFFFFFFE0];
	v14 =	vadd.f32 v8, v0;
	[tilespmem:s12+$0xFFFFFFF0] =	vst v19  }
0xfb: {  	s21 =	simm.s32 $0xC7E0;
	v17 =	vadd.f32 v18, v17;
	v8 =	vld [tilespmem:s23+$0xFFFFFFE0];
	v12 =	vmul.f32 v12, v9;
	[tilespmem:s20+$0x10] =	vst v11  }
0xfc: {  	s22 =	simm.s32 $0x14220;
	v10 =	vadd.f32 v10, v13;
	[tilespmem:s12+$0x0] =	vst v14;
	v11 =	vld [tilespmem:s21+$0x10]  }
0xfd: {  	s24 =	simm.s32 $0x4;
	v9 =	vld [tilespmem:s23+$0xFFFFFFF0];
	[tilespmem:s22+$0x10] =	vst v12;
	v12 =	vadd.f32 v16, v15;
	v14 =	vmul.f32 v17, v6  }
0xfe: {  	v13 =	vmul.f32 v10, v5;
	s12 =	sadd.s32 $0x40, s25;
	s25 =	simm.s32 $0xC7E0;
	v10 =	vld [tilespmem:s23+$0x0];
	s23 =	simm.s32 $0x14220  }
.LBB2_7:
0xff: {  	v15 =	vld [tilespmem:s12+$0x10];
	v12 =	vmul.f32 v12, v7;
	v14 =	vadd.f32 v14, v0;
	s0 =	sadd.s32 $0x40, s0  }
0x100: {  	s24 =	sadd.s32 $0x4, s24;
	v13 =	vadd.f32 v13, v0;
	v8 =	vmul.f32 v8, v3;
	v3 =	vmov v7;
	v16 =	vld [tilespmem:s0+$0x10]  }
0x101: {  	v11 =	vmul.f32 v11, v4;
	s31 =	sadd.s32 $0x40, s31;
	p1 =	slt.u32 s24, $0x14;
	v7 =	vld [tilespmem:s12+$0xFFFFFFE0];
	v12 =	vadd.f32 v12, v0;
	[tilespmem:s20+$0xFFFFFFF0] =	vst v14  }
0x102: {  	v9 =	vmul.f32 v9, v1;
	s22 =	sadd.s32 $0x40, s22;
	v1 =	vmov v6;
	v4 =	vld [tilespmem:s31+$0x10];
	[tilespmem:s20+$0x0] =	vst v13  }
0x103: {  	v10 =	vmul.f32 v10, v2;
	v2 =	vmov v5;
	v6 =	vld [tilespmem:s0+$0xFFFFFFE0];
	[tilespmem:s22+$0x10] =	vst v11  }
0x104: {  	v11 =	vld [tilespmem:s12+$0xFFFFFFF0];
	[tilespmem:s20+$0xFFFFFFE0] =	vst v12  }
0x105: {  	v13 =	vld [tilespmem:s0+$0xFFFFFFF0];
	v5 =	vadd.f32 v16, v15;
	[tilespmem:s23+$0xFFFFFFE0] =	vst v8  }
0x106: {  	v14 =	vld [tilespmem:s12+$0x0];
	[tilespmem:s23+$0xFFFFFFF0] =	vst v9  }
0x107: {  	v9 =	vld [tilespmem:s0+$0x0];
	v8 =	vmul.f32 v5, v4;
	[tilespmem:s23+$0x0] =	vst v10;
	s23 =	smov.u32 s22  }
0x108: {  	v12 =	vadd.f32 v6, v7;
	v6 =	vld [tilespmem:s31+$0xFFFFFFF0]  }
0x109: {  	v5 =	vld [tilespmem:s31+$0x0];
	v8 =	vadd.f32 v8, v0  }
.Ltmp5:
0x10a: {  	s20 =	sadd.s32 $0x40, s20;
	v7 =	vld [tilespmem:s31+$0xFFFFFFE0];
	v10 =	vadd.f32 v13, v11;
	(pc) =	sbr.rel @p1 .LBB2_7-.Ltmp5, $4  }
0x10b: {  	s25 =	sadd.s32 $0x40, s25;
	[tilespmem:s20+$0x10] =	vst v8;
	v8 =	vld [tilespmem:s21+$0xFFFFFFE0]  }
0x10c: {  	v13 =	vadd.f32 v9, v14;
	v11 =	vld [tilespmem:s25+$0x10]  }
0x10d: {  	v14 =	vmul.f32 v10, v6;
	v9 =	vld [tilespmem:s21+$0xFFFFFFF0]  }
0x10e: {  	s12 =	sadd.s32 $0x40, s12;
	v13 =	vmul.f32 v13, v5;
	v10 =	vld [tilespmem:s21+$0x0];
	s21 =	smov.u32 s25  }
.Ltmp6:
0x10f: {  	_ = 	snop;
	(pc) =	sbr.rel .LBB2_8-.Ltmp6, $1  }
0x110: {  	_ =	sdelay $0x3  }
.LBB2_10:
0x111: {  	_ =	sfence.sel $0x180000  }
0x112: {  	[bflag:$0x0] =	sbarrier.arrive $0xFFFF  }
0x113: {  	_ =	strace $0x9000004A  }
0x114: {  	s0 =	stileid.u32;
	[bflag:$0x2] =	sbarrier.arrive $0xFFFF  }
0x115: {  	p0 =	sne.s32 s0, $0x0;
	s0 =	rddreg [dreg:$0x2]  }
0x116: {  	s0 =	sadd.s32 @!p0 $0x100000, s0  }
0x117: {  	[sflag:s0] =	ssyncadd.tile.s32 @!p0 $0x1;
	_ =	shalt  }
.Lfunc_end2:
_tile_overlayer_lowered:
.L_overlay_start_2:
0x118: {  	(tag) =	ssettag $0x2  }
0x119: {  	s0 =	rddreg [dreg:$0x0];
	s2 =	stileid.u32  }
0x11a: {  	s1 =	rddreg [dreg:$0x1];
	p0 =	sne.s32 s2, $0x0  }
0x11b: {  	s3 =	rddreg [dreg:$0x2];
	[bflag:$0x3] =	sbarrier.arrive $0xFFFF;
	s2 =	simm.s32 @!p0 $0x1C03  }
0x11c: {  	[timem:s3], [sflag:s2] =	dma.local @!p0 [hbm:s0], s1  }
0x11d: {  	s0 =	simm.s32 @!p0 $0x3  }
0x11e: {  	_ =	swait.ge @!p0 [sflag:s0], s1  }
0x11f: {  	s1 =	ssub.s32 @!p0 $0x0, s1;
	[sflag:s0] =	ssyncset.done @!p0 $0x0  }
0x120: {  	[sflag:s0] =	ssyncadd.s32 @!p0 s1  }
0x121: {  	[bflag:$0x3] =	sbarrier.arrive $0xFFFF  }
0x122: {  	_ =	shalt  }

</sc_bundles>
